<compile_context>
chip_gen: v7x
topology: tpu7x:2x2x1
jax: 0.10.2.dev20260603
libtpu: 0.0.44.dev20260713+nightly
codegen_flags: <defaults>
</compile_context>

<pallas_src>
import functools

import jax
import jax.numpy as jnp
from jax import lax
from jax.experimental import pallas as pl
from jax.experimental.pallas import tpu as pltpu
from jax.experimental.pallas import tpu_sc as plsc

N = 10000
D = 128
E = 320000

NC = 2
NS = 16
NW = NC * NS

CHUNK = 128
EDGES_PER_TILE = E // NW
NFULL = EDGES_PER_TILE // CHUNK
REM = EDGES_PER_TILE - NFULL * CHUNK
ROWS_PER_TILE = 624
ROWS_TAIL = N - NS * ROWS_PER_TILE

def _sc_mesh():
    return plsc.VectorSubcoreMesh(core_axis_name="c", subcore_axis_name="s")


def _segsum_sc(h, zeros, src2d, dst2d):

    @functools.partial(
        pl.kernel,
        mesh=_sc_mesh(),
        out_type=jax.ShapeDtypeStruct((NC, N, D), jnp.float32),
        scratch_types=[
            pltpu.VMEM_SHARED((N, D), jnp.float32),
            pltpu.VMEM((NFULL * CHUNK,), jnp.int32),
            pltpu.VMEM((CHUNK,), jnp.int32),
            pltpu.VMEM((CHUNK,), jnp.int32),
            pltpu.VMEM((CHUNK, D), jnp.float32),
            pltpu.VMEM((CHUNK, D), jnp.float32),
            pltpu.VMEM((REM,), jnp.int32),
            pltpu.VMEM((REM,), jnp.int32),
            pltpu.VMEM((REM, D), jnp.float32),
            pltpu.SemaphoreType.DMA,
            pltpu.SemaphoreType.DMA,
            pltpu.SemaphoreType.DMA,
            pltpu.SemaphoreType.DMA,
        ],
    )
    def k(h_hbm, z_hbm, src_hbm, dst_hbm, out_hbm,
          acc, src_flat, dstva, dstvb, rows0, rows1,
          srcr, dstr, rowsr, semi0, semi1, sem0, sem1):
        c = lax.axis_index("c")
        s = lax.axis_index("s")
        w = s * NC + c
        r0 = s * ROWS_PER_TILE
        cbase = w * EDGES_PER_TILE
        sp = pltpu.async_copy(src_hbm.at[pl.ds(cbase, NFULL * CHUNK)],
                              src_flat, semi0)

        @pl.when(c == 0)
        def _():
            pltpu.sync_copy(h_hbm.at[pl.ds(r0, ROWS_PER_TILE)],
                            acc.at[pl.ds(r0, ROWS_PER_TILE)])

        @pl.when(c != 0)
        def _():
            pltpu.sync_copy(z_hbm.at[pl.ds(r0, ROWS_PER_TILE)],
                            acc.at[pl.ds(r0, ROWS_PER_TILE)])

        @pl.when((c == 0) & (s == NS - 1))
        def _():
            pltpu.sync_copy(h_hbm.at[pl.ds(NS * ROWS_PER_TILE, ROWS_TAIL)],
                            acc.at[pl.ds(NS * ROWS_PER_TILE, ROWS_TAIL)])

        @pl.when((c != 0) & (s == NS - 1))
        def _():
            pltpu.sync_copy(z_hbm.at[pl.ds(NS * ROWS_PER_TILE, ROWS_TAIL)],
                            acc.at[pl.ds(NS * ROWS_PER_TILE, ROWS_TAIL)])

        sp.wait()
        plsc.subcore_barrier()

        def _gather(chunk, rows, sem):
            return pltpu.make_async_copy(
                h_hbm.at[src_flat.at[pl.ds(chunk * CHUNK, CHUNK)]], rows, sem)

        def _dload(chunk, dstv, sem):
            return pltpu.make_async_copy(
                dst_hbm.at[pl.ds(cbase + chunk * CHUNK, CHUNK)], dstv, sem)

        _gather(0, rows0, sem0).start()
        _dload(0, dstva, semi0).start()

        @pl.loop(0, NFULL // 2)
        def _(jj):
            a = 2 * jj
            b = a + 1
            _gather(b, rows1, sem1).start()
            _dload(b, dstvb, semi1).start()
            _gather(a, rows0, sem0).wait()
            _dload(a, dstva, semi0).wait()
            pltpu.sync_copy(rows0, acc.at[dstva], add=True)

            @pl.when(jj < NFULL // 2 - 1)
            def _():
                _gather(a + 2, rows0, sem0).start()
                _dload(a + 2, dstva, semi0).start()

            _gather(b, rows1, sem1).wait()
            _dload(b, dstvb, semi1).wait()
            pltpu.sync_copy(rows1, acc.at[dstvb], add=True)

        rbase = cbase + NFULL * CHUNK
        pltpu.sync_copy(src_hbm.at[pl.ds(rbase, REM)], srcr)
        pltpu.sync_copy(dst_hbm.at[pl.ds(rbase, REM)], dstr)
        pltpu.async_copy(h_hbm.at[srcr], rowsr, sem0).wait()
        pltpu.sync_copy(rowsr, acc.at[dstr], add=True)

        plsc.subcore_barrier()
        pltpu.sync_copy(acc.at[pl.ds(r0, ROWS_PER_TILE)],
                        out_hbm.at[c, pl.ds(r0, ROWS_PER_TILE)])

        @pl.when(s == NS - 1)
        def _():
            pltpu.sync_copy(acc.at[pl.ds(NS * ROWS_PER_TILE, ROWS_TAIL)],
                            out_hbm.at[c, pl.ds(NS * ROWS_PER_TILE, ROWS_TAIL)])

    return k(h, zeros, src2d, dst2d)


def _gin_mlp(p0, p1, W1, b1, W2, b2):
    BLK = 1000

    def body(p0_ref, p1_ref, w1_ref, b1_ref, w2_ref, b2_ref, o_ref):
        z = p0_ref[...] + p1_ref[...]
        h1 = jnp.dot(z, w1_ref[...], preferred_element_type=jnp.float32)
        h1 = jnp.maximum(h1 + b1_ref[...], 0.0)
        o_ref[...] = (jnp.dot(h1, w2_ref[...], preferred_element_type=jnp.float32)
                      + b2_ref[...])

    return pl.pallas_call(
        body,
        grid=(N // BLK,),
        in_specs=[
            pl.BlockSpec((BLK, D), lambda i: (i, 0)),
            pl.BlockSpec((BLK, D), lambda i: (i, 0)),
            pl.BlockSpec((D, D), lambda i: (0, 0)),
            pl.BlockSpec((1, D), lambda i: (0, 0)),
            pl.BlockSpec((D, D), lambda i: (0, 0)),
            pl.BlockSpec((1, D), lambda i: (0, 0)),
        ],
        out_specs=pl.BlockSpec((BLK, D), lambda i: (i, 0)),
        out_shape=jax.ShapeDtypeStruct((N, D), jnp.float32),
    )(p0, p1, W1, b1.reshape(1, D), W2, b2.reshape(1, D))


P_GATHER = 512
PG_ALL = 2 * P_GATHER
GPT = PG_ALL // NW


def _gather_sc(h, idx):

    @functools.partial(
        pl.kernel,
        mesh=_sc_mesh(),
        out_type=jax.ShapeDtypeStruct((PG_ALL, D), jnp.float32),
        scratch_types=[
            pltpu.VMEM((GPT,), jnp.int32),
            pltpu.VMEM((GPT, D), jnp.float32),
            pltpu.SemaphoreType.DMA,
        ],
    )
    def k(h_hbm, idx_hbm, out_hbm, idxv, rows, sem):
        c = lax.axis_index("c")
        s = lax.axis_index("s")
        w = s * NC + c
        pltpu.sync_copy(idx_hbm.at[pl.ds(w * GPT, GPT)], idxv)
        pltpu.async_copy(h_hbm.at[idxv], rows, sem).wait()
        pltpu.sync_copy(rows, out_hbm.at[pl.ds(w * GPT, GPT)])

    return k(h, idx)


def _scorer(xg, W1, b1, W2, b2, w_ts, w_ta, w_cs, w_ca, bp1, wp2t, bp2):

    def body(xg_ref, w1_ref, b1_ref, w2_ref, b2_ref,
             wts_ref, wta_ref, wcs_ref, wca_ref, bp1_ref, wp2t_ref,
             bp2_ref, o_ref):
        z = xg_ref[0:P_GATHER, :] + xg_ref[P_GATHER:PG_ALL, :]
        h1 = jnp.dot(z, w1_ref[...], preferred_element_type=jnp.float32)
        h1 = jnp.maximum(h1 + b1_ref[...], 0.0)
        x2r = (jnp.dot(h1, w2_ref[...], preferred_element_type=jnp.float32)
               + b2_ref[...])
        xu = x2r[0:1, :]
        xv = x2r[1:2, :]
        cu = x2r[8:136, :]
        cv = x2r[144:272, :]
        t = (jnp.dot(xu + xv, wts_ref[...], preferred_element_type=jnp.float32)
             + jnp.dot(jnp.abs(xu - xv), wta_ref[...],
                       preferred_element_type=jnp.float32))
        cmat = (jnp.dot(cu + cv, wcs_ref[...], preferred_element_type=jnp.float32)
                + jnp.dot(jnp.abs(cu - cv), wca_ref[...],
                          preferred_element_type=jnp.float32))
        act = jnp.maximum(cmat + t + bp1_ref[...], 0.0)
        o_ref[...] = (lax.dot_general(wp2t_ref[...], act,
                                      (((1,), (1,)), ((), ())),
                                      preferred_element_type=jnp.float32)
                      + bp2_ref[...])

    return pl.pallas_call(
        body,
        out_shape=jax.ShapeDtypeStruct((1, 128), jnp.float32),
    )(xg, W1, b1.reshape(1, D), W2, b2.reshape(1, D),
      w_ts, w_ta, w_cs, w_ca, bp1, wp2t, bp2)


def kernel(x, edge_index, edge_pairs, candidate_edges,
           W1_0, b1_0, W2_0, b2_0,
           W1_1, b1_1, W2_1, b2_1,
           Wp1, bp1, Wp2, bp2):
    src2d = edge_index[0]
    dst2d = edge_index[1]
    zeros = jnp.zeros((N, D), jnp.float32)

    p = _segsum_sc(x, zeros, src2d, dst2d)
    x1 = _gin_mlp(p[0], p[1], W1_0, b1_0, W2_0, b2_0)
    p = _segsum_sc(x1, zeros, src2d, dst2d)

    u = edge_pairs[:, 0]
    v = edge_pairs[:, 1]
    cu = candidate_edges[:, 0]
    cv = candidate_edges[:, 1]
    pad6 = jnp.zeros((6,), jnp.int32)
    pad8 = jnp.zeros((8,), jnp.int32)
    pad_tail = jnp.zeros((P_GATHER - 272,), jnp.int32)
    idx = jnp.concatenate([u, v, pad6, cu, pad8, cv, pad_tail])
    idx2 = jnp.concatenate([idx, idx + N])

    xg = _gather_sc(p.reshape(2 * N, D), idx2)

    w_ts = Wp1[0:128]
    w_ta = Wp1[128:256]
    w_cs = Wp1[256:384]
    w_ca = Wp1[384:512]
    logits = _scorer(xg, W1_1, b1_1, W2_1, b2_1,
                     w_ts, w_ta, w_cs, w_ca,
                     bp1.reshape(1, D), Wp2.T, bp2.reshape(1, 1))
    return logits

# --- scband reference (transcript-rebuilt; emitter-appended) ---
"""Pipeline reference for scband-graph-er-86878598463657 (READ-ONLY COPY).

The authoritative reference and input builder live on the scoring server;
editing this copy changes nothing except your own understanding.
"""

import jax, jax.numpy as jnp
import numpy as np

N = 10000
E = 320000
D = 128
H = 128
C = 128


def setup_inputs(seed: int = 0) -> dict:
    key = jax.random.key(seed)
    ks = jax.random.split(key, 20)
    scale = 0.02
    inp = {}
    inp["x"] = jax.random.normal(ks[0], (N, D), dtype=jnp.float32)
    inp["edge_index"] = jax.random.randint(ks[1], (2, E), 0, N, dtype=jnp.int32)
    inp["edge_pairs"] = jax.random.randint(ks[2], (1, 2), 0, N, dtype=jnp.int32)
    inp["candidate_edges"] = jax.random.randint(ks[3], (C, 2), 0, N, dtype=jnp.int32)
    # GIN layer 0: Linear(D,H), ReLU, Linear(H,H)
    inp["W1_0"] = jax.random.normal(ks[4], (D, H), dtype=jnp.float32) * scale
    inp["b1_0"] = jnp.zeros((H,), dtype=jnp.float32)
    inp["W2_0"] = jax.random.normal(ks[5], (H, H), dtype=jnp.float32) * scale
    inp["b2_0"] = jnp.zeros((H,), dtype=jnp.float32)
    # GIN layer 1: Linear(H,H), ReLU, Linear(H,H)
    inp["W1_1"] = jax.random.normal(ks[6], (H, H), dtype=jnp.float32) * scale
    inp["b1_1"] = jnp.zeros((H,), dtype=jnp.float32)
    inp["W2_1"] = jax.random.normal(ks[7], (H, H), dtype=jnp.float32) * scale
    inp["b2_1"] = jnp.zeros((H,), dtype=jnp.float32)
    # edge predictor: Linear(4H,H), ReLU, Linear(H,1)
    inp["Wp1"] = jax.random.normal(ks[8], (4 * H, H), dtype=jnp.float32) * scale
    inp["bp1"] = jnp.zeros((H,), dtype=jnp.float32)
    inp["Wp2"] = jax.random.normal(ks[9], (H, 1), dtype=jnp.float32) * scale
    inp["bp2"] = jnp.zeros((1,), dtype=jnp.float32)
    return inp


def reference(x, edge_index, edge_pairs, candidate_edges,
              W1_0, b1_0, W2_0, b2_0,
              W1_1, b1_1, W2_1, b2_1,
              Wp1, bp1, Wp2, bp2):
    src = edge_index[0]
    dst = edge_index[1]

    def gin(h, W1, b1, W2, b2):
        # GINConv with eps=0: nn((1+eps)*x + sum_{j in N(i)} x_j)
        agg = jax.ops.segment_sum(h[src], dst, num_segments=h.shape[0])
        z = h + agg
        z = jax.nn.relu(z @ W1 + b1)
        return z @ W2 + b2

    x = gin(x, W1_0, b1_0, W2_0, b2_0)
    x = gin(x, W1_1, b1_1, W2_1, b2_1)

    def edge_rep(xu, xv):
        # method='sum_absdiff'
        return jnp.concatenate([xu + xv, jnp.abs(xu - xv)], axis=-1)

    u = edge_pairs[:, 0]
    v = edge_pairs[:, 1]
    target_edge = edge_rep(x[u], x[v])  # [1, 2H]

    cu = candidate_edges[:, 0]
    cv = candidate_edges[:, 1]
    cand_feat = edge_rep(x[cu], x[cv])  # [C, 2H]

    # vectorized form of the per-candidate python loop (edge_pairs has 1 row)
    tgt = jnp.broadcast_to(target_edge, (cand_feat.shape[0], target_edge.shape[1]))
    pair_inp = jnp.concatenate([tgt, cand_feat], axis=-1)  # [C, 4H]
    scores = jax.nn.relu(pair_inp @ Wp1 + bp1) @ Wp2 + bp2  # [C, 1]
    logits = scores.T  # [1, C] == torch.cat(scores, dim=1)
    return logits

if __name__ == "__main__":
    import jax
    _d = setup_inputs()
    print(jax.jit(kernel)(*tuple(_d.values())))

</pallas_src>

<mosaic_0001>
#map = affine_map<(d0, d1) -> (0, 0)>
#map1 = affine_map<(d0, d1) -> (0)>
#map2 = affine_map<(d0, d1) -> (0, 0, 0)>
module attributes {stable_mosaic.version = 14 : i64} {
  func.func @k(%arg0: i32, %arg1: i32, %arg2: memref<10000x128xf32, #tpu.memory_space<hbm>>, %arg3: memref<10000x128xf32, #tpu.memory_space<hbm>>, %arg4: memref<320000xi32, #tpu.memory_space<hbm>>, %arg5: memref<320000xi32, #tpu.memory_space<hbm>>, %arg6: memref<2x10000x128xf32, #tpu.memory_space<hbm>>, %arg7: memref<10000x128xf32, #tpu.memory_space<vmem_shared>>, %arg8: memref<9984xi32, #tpu.memory_space<vmem>>, %arg9: memref<128xi32, #tpu.memory_space<vmem>>, %arg10: memref<128xi32, #tpu.memory_space<vmem>>, %arg11: memref<128x128xf32, #tpu.memory_space<vmem>>, %arg12: memref<128x128xf32, #tpu.memory_space<vmem>>, %arg13: memref<16xi32, #tpu.memory_space<vmem>>, %arg14: memref<16xi32, #tpu.memory_space<vmem>>, %arg15: memref<16x128xf32, #tpu.memory_space<vmem>>, %arg16: memref<!tpu.dma_semaphore, #tpu.memory_space<semaphore_mem>>, %arg17: memref<!tpu.dma_semaphore, #tpu.memory_space<semaphore_mem>>, %arg18: memref<!tpu.dma_semaphore, #tpu.memory_space<semaphore_mem>>, %arg19: memref<!tpu.dma_semaphore, #tpu.memory_space<semaphore_mem>>) attributes {dimension_semantics = [#tpu.dimension_semantics<core_parallel>, #tpu.dimension_semantics<subcore_parallel>], iteration_bounds = array<i64: 2, 16>, scalar_prefetch = 0 : i64, scratch_operands = 13 : i64, tpu.core_type = #tpu.core_type<sc_vector_subcore>, window_params = [{transform_indices = #map}, {transform_indices = #map}, {transform_indices = #map1}, {transform_indices = #map1}, {transform_indices = #map2}]} {
    %mul3A = arith.constant 2 : i32
    %mul3A_0 = arith.muli %arg1, %mul3A : i32
    %add3A = arith.addi %mul3A_0, %arg0 : i32
    %mul3A_1 = arith.constant 624 : i32
    %mul3A_2 = arith.muli %arg1, %mul3A_1 : i32
    %mul3A_3 = arith.constant 10000 : i32
    %mul3A_4 = arith.muli %add3A, %mul3A_3 : i32
    %dma_start3A = tpu.memref_slice %arg4[%mul3A_4] : memref<320000xi32, #tpu.memory_space<hbm>> -> memref<9984xi32, #tpu.memory_space<hbm>>
    %dma_start3A_5 = tpu.memref_slice %arg4[%mul3A_4] : memref<320000xi32, #tpu.memory_space<hbm>> -> memref<9984xi32, #tpu.memory_space<hbm>>
    tpu.enqueue_dma source(%dma_start3A_5 : memref<9984xi32, #tpu.memory_space<hbm>>) target(%arg8 : memref<9984xi32, #tpu.memory_space<vmem>>) target_semaphore(%arg16 : memref<!tpu.dma_semaphore, #tpu.memory_space<semaphore_mem>>)
    %eq3A = arith.constant 0 : i32
    %eq3A_6 = arith.cmpi eq, %arg0, %eq3A : i32
    %convert_element_type3A = arith.extui %eq3A_6 : i1 to i32
    %cond3A = arith.constant 0 : i32
    %cond3A_7 = arith.cmpi ne, %convert_element_type3A, %cond3A : i32
    scf.if %cond3A_7 {
      "tpu.region"() ({
        %run_scoped3A = tpu.sem_alloc : memref<!tpu.dma_semaphore, #tpu.memory_space<semaphore_mem>>
        %dma_start3A_55 = arith.constant 0 : i32
        %dma_start3A_56 = tpu.memref_slice %arg7[%mul3A_2, %dma_start3A_55] : memref<10000x128xf32, #tpu.memory_space<vmem_shared>> -> memref<624x128xf32, #tpu.memory_space<vmem_shared>>
        %dma_start3A_57 = arith.constant 0 : i32
        %dma_start3A_58 = tpu.memref_slice %arg2[%mul3A_2, %dma_start3A_57] : memref<10000x128xf32, #tpu.memory_space<hbm>> -> memref<624x128xf32, #tpu.memory_space<hbm>>
        tpu.enqueue_dma source(%dma_start3A_58 : memref<624x128xf32, #tpu.memory_space<hbm>>) target(%dma_start3A_56 : memref<624x128xf32, #tpu.memory_space<vmem_shared>>) target_semaphore(%run_scoped3A : memref<!tpu.dma_semaphore, #tpu.memory_space<semaphore_mem>>)
        %dma_wait3A_59 = arith.constant 0 : i32
        %dma_wait3A_60 = tpu.memref_slice %arg7[%mul3A_2, %dma_wait3A_59] : memref<10000x128xf32, #tpu.memory_space<vmem_shared>> -> memref<624x128xf32, #tpu.memory_space<vmem_shared>>
        %dma_wait3A_61 = arith.constant 0 : i32
        %dma_wait3A_62 = tpu.memref_slice %arg2[%mul3A_2, %dma_wait3A_61] : memref<10000x128xf32, #tpu.memory_space<hbm>> -> memref<624x128xf32, #tpu.memory_space<hbm>>
        tpu.wait_dma2 semaphore(%run_scoped3A : memref<!tpu.dma_semaphore, #tpu.memory_space<semaphore_mem>>) src(%dma_wait3A_62 : memref<624x128xf32, #tpu.memory_space<hbm>>) dst(%dma_wait3A_60 : memref<624x128xf32, #tpu.memory_space<vmem_shared>>)
        tpu.yield
      }) : () -> ()
    } else {
    }
    %ne3A = arith.constant 0 : i32
    %ne3A_8 = arith.cmpi ne, %arg0, %ne3A : i32
    %convert_element_type3A_9 = arith.extui %ne3A_8 : i1 to i32
    %cond3A_10 = arith.constant 0 : i32
    %cond3A_11 = arith.cmpi ne, %convert_element_type3A_9, %cond3A_10 : i32
    scf.if %cond3A_11 {
      "tpu.region"() ({
        %run_scoped3A = tpu.sem_alloc : memref<!tpu.dma_semaphore, #tpu.memory_space<semaphore_mem>>
        %dma_start3A_55 = arith.constant 0 : i32
        %dma_start3A_56 = tpu.memref_slice %arg7[%mul3A_2, %dma_start3A_55] : memref<10000x128xf32, #tpu.memory_space<vmem_shared>> -> memref<624x128xf32, #tpu.memory_space<vmem_shared>>
        %dma_start3A_57 = arith.constant 0 : i32
        %dma_start3A_58 = tpu.memref_slice %arg3[%mul3A_2, %dma_start3A_57] : memref<10000x128xf32, #tpu.memory_space<hbm>> -> memref<624x128xf32, #tpu.memory_space<hbm>>
        tpu.enqueue_dma source(%dma_start3A_58 : memref<624x128xf32, #tpu.memory_space<hbm>>) target(%dma_start3A_56 : memref<624x128xf32, #tpu.memory_space<vmem_shared>>) target_semaphore(%run_scoped3A : memref<!tpu.dma_semaphore, #tpu.memory_space<semaphore_mem>>)
        %dma_wait3A_59 = arith.constant 0 : i32
        %dma_wait3A_60 = tpu.memref_slice %arg7[%mul3A_2, %dma_wait3A_59] : memref<10000x128xf32, #tpu.memory_space<vmem_shared>> -> memref<624x128xf32, #tpu.memory_space<vmem_shared>>
        %dma_wait3A_61 = arith.constant 0 : i32
        %dma_wait3A_62 = tpu.memref_slice %arg3[%mul3A_2, %dma_wait3A_61] : memref<10000x128xf32, #tpu.memory_space<hbm>> -> memref<624x128xf32, #tpu.memory_space<hbm>>
        tpu.wait_dma2 semaphore(%run_scoped3A : memref<!tpu.dma_semaphore, #tpu.memory_space<semaphore_mem>>) src(%dma_wait3A_62 : memref<624x128xf32, #tpu.memory_space<hbm>>) dst(%dma_wait3A_60 : memref<624x128xf32, #tpu.memory_space<vmem_shared>>)
        tpu.yield
      }) : () -> ()
    } else {
    }
    %eq3A_12 = arith.constant 0 : i32
    %eq3A_13 = arith.cmpi eq, %arg0, %eq3A_12 : i32
    %eq3A_14 = arith.constant 15 : i32
    %eq3A_15 = arith.cmpi eq, %arg1, %eq3A_14 : i32
    %and3A = arith.andi %eq3A_13, %eq3A_15 : i1
    %convert_element_type3A_16 = arith.extui %and3A : i1 to i32
    %cond3A_17 = arith.constant 0 : i32
    %cond3A_18 = arith.cmpi ne, %convert_element_type3A_16, %cond3A_17 : i32
    scf.if %cond3A_18 {
      "tpu.region"() ({
        %run_scoped3A = tpu.sem_alloc : memref<!tpu.dma_semaphore, #tpu.memory_space<semaphore_mem>>
        %dma_start3A_55 = arith.constant 9984 : i32
        %dma_start3A_56 = arith.constant 0 : i32
        %dma_start3A_57 = tpu.memref_slice %arg7[%dma_start3A_55, %dma_start3A_56] : memref<10000x128xf32, #tpu.memory_space<vmem_shared>> -> memref<16x128xf32, #tpu.memory_space<vmem_shared>>
        %dma_start3A_58 = arith.constant 9984 : i32
        %dma_start3A_59 = arith.constant 0 : i32
        %dma_start3A_60 = tpu.memref_slice %arg2[%dma_start3A_58, %dma_start3A_59] : memref<10000x128xf32, #tpu.memory_space<hbm>> -> memref<16x128xf32, #tpu.memory_space<hbm>>
        tpu.enqueue_dma source(%dma_start3A_60 : memref<16x128xf32, #tpu.memory_space<hbm>>) target(%dma_start3A_57 : memref<16x128xf32, #tpu.memory_space<vmem_shared>>) target_semaphore(%run_scoped3A : memref<!tpu.dma_semaphore, #tpu.memory_space<semaphore_mem>>)
        %dma_wait3A_61 = arith.constant 9984 : i32
        %dma_wait3A_62 = arith.constant 0 : i32
        %dma_wait3A_63 = tpu.memref_slice %arg7[%dma_wait3A_61, %dma_wait3A_62] : memref<10000x128xf32, #tpu.memory_space<vmem_shared>> -> memref<16x128xf32, #tpu.memory_space<vmem_shared>>
        %dma_wait3A_64 = arith.constant 9984 : i32
        %dma_wait3A_65 = arith.constant 0 : i32
        %dma_wait3A_66 = tpu.memref_slice %arg2[%dma_wait3A_64, %dma_wait3A_65] : memref<10000x128xf32, #tpu.memory_space<hbm>> -> memref<16x128xf32, #tpu.memory_space<hbm>>
        tpu.wait_dma2 semaphore(%run_scoped3A : memref<!tpu.dma_semaphore, #tpu.memory_space<semaphore_mem>>) src(%dma_wait3A_66 : memref<16x128xf32, #tpu.memory_space<hbm>>) dst(%dma_wait3A_63 : memref<16x128xf32, #tpu.memory_space<vmem_shared>>)
        tpu.yield
      }) : () -> ()
    } else {
    }
    %ne3A_19 = arith.constant 0 : i32
    %ne3A_20 = arith.cmpi ne, %arg0, %ne3A_19 : i32
    %eq3A_21 = arith.constant 15 : i32
    %eq3A_22 = arith.cmpi eq, %arg1, %eq3A_21 : i32
    %and3A_23 = arith.andi %ne3A_20, %eq3A_22 : i1
    %convert_element_type3A_24 = arith.extui %and3A_23 : i1 to i32
    %cond3A_25 = arith.constant 0 : i32
    %cond3A_26 = arith.cmpi ne, %convert_element_type3A_24, %cond3A_25 : i32
    scf.if %cond3A_26 {
      "tpu.region"() ({
        %run_scoped3A = tpu.sem_alloc : memref<!tpu.dma_semaphore, #tpu.memory_space<semaphore_mem>>
        %dma_start3A_55 = arith.constant 9984 : i32
        %dma_start3A_56 = arith.constant 0 : i32
        %dma_start3A_57 = tpu.memref_slice %arg7[%dma_start3A_55, %dma_start3A_56] : memref<10000x128xf32, #tpu.memory_space<vmem_shared>> -> memref<16x128xf32, #tpu.memory_space<vmem_shared>>
        %dma_start3A_58 = arith.constant 9984 : i32
        %dma_start3A_59 = arith.constant 0 : i32
        %dma_start3A_60 = tpu.memref_slice %arg3[%dma_start3A_58, %dma_start3A_59] : memref<10000x128xf32, #tpu.memory_space<hbm>> -> memref<16x128xf32, #tpu.memory_space<hbm>>
        tpu.enqueue_dma source(%dma_start3A_60 : memref<16x128xf32, #tpu.memory_space<hbm>>) target(%dma_start3A_57 : memref<16x128xf32, #tpu.memory_space<vmem_shared>>) target_semaphore(%run_scoped3A : memref<!tpu.dma_semaphore, #tpu.memory_space<semaphore_mem>>)
        %dma_wait3A_61 = arith.constant 9984 : i32
        %dma_wait3A_62 = arith.constant 0 : i32
        %dma_wait3A_63 = tpu.memref_slice %arg7[%dma_wait3A_61, %dma_wait3A_62] : memref<10000x128xf32, #tpu.memory_space<vmem_shared>> -> memref<16x128xf32, #tpu.memory_space<vmem_shared>>
        %dma_wait3A_64 = arith.constant 9984 : i32
        %dma_wait3A_65 = arith.constant 0 : i32
        %dma_wait3A_66 = tpu.memref_slice %arg3[%dma_wait3A_64, %dma_wait3A_65] : memref<10000x128xf32, #tpu.memory_space<hbm>> -> memref<16x128xf32, #tpu.memory_space<hbm>>
        tpu.wait_dma2 semaphore(%run_scoped3A : memref<!tpu.dma_semaphore, #tpu.memory_space<semaphore_mem>>) src(%dma_wait3A_66 : memref<16x128xf32, #tpu.memory_space<hbm>>) dst(%dma_wait3A_63 : memref<16x128xf32, #tpu.memory_space<vmem_shared>>)
        tpu.yield
      }) : () -> ()
    } else {
    }
    %dma_wait3A = tpu.memref_slice %arg4[%mul3A_4] : memref<320000xi32, #tpu.memory_space<hbm>> -> memref<9984xi32, #tpu.memory_space<hbm>>
    %dma_wait3A_27 = tpu.memref_slice %arg4[%mul3A_4] : memref<320000xi32, #tpu.memory_space<hbm>> -> memref<9984xi32, #tpu.memory_space<hbm>>
    tpu.wait_dma2 semaphore(%arg16 : memref<!tpu.dma_semaphore, #tpu.memory_space<semaphore_mem>>) src(%dma_wait3A_27 : memref<9984xi32, #tpu.memory_space<hbm>>) dst(%arg8 : memref<9984xi32, #tpu.memory_space<vmem>>)
    %barrier3A = arith.constant 0 : index
    tpu.barrier barrier_id(%barrier3A)
    %dma_start3A_28 = arith.constant 0 : i32
    %dma_start3A_29 = tpu.memref_slice %arg8[%dma_start3A_28] : memref<9984xi32, #tpu.memory_space<vmem>> -> memref<128xi32, #tpu.memory_space<vmem>>
    %dma_start3A_30 = arith.constant 0 : i32
    %dma_start3A_31 = arith.constant 0 : i32
    %dma_start3A_32 = tpu.memref_slice %arg2[%dma_start3A_30, %dma_start3A_31] : memref<10000x128xf32, #tpu.memory_space<hbm>> -> memref<10000x128xf32, #tpu.memory_space<hbm>>
    tpu.enqueue_indirect_dma source(%dma_start3A_32 : memref<10000x128xf32, #tpu.memory_space<hbm>>) target(%arg11 : memref<128x128xf32, #tpu.memory_space<vmem>>) offsets(%dma_start3A_29 : memref<128xi32, #tpu.memory_space<vmem>>) semaphore(%arg18 : memref<!tpu.dma_semaphore, #tpu.memory_space<semaphore_mem>>)
    %add3A_33 = arith.constant 0 : i32
    %add3A_34 = arith.addi %mul3A_4, %add3A_33 : i32
    %dma_start3A_35 = tpu.memref_slice %arg5[%add3A_34] : memref<320000xi32, #tpu.memory_space<hbm>> -> memref<128xi32, #tpu.memory_space<hbm>>
    %dma_start3A_36 = tpu.memref_slice %arg5[%add3A_34] : memref<320000xi32, #tpu.memory_space<hbm>> -> memref<128xi32, #tpu.memory_space<hbm>>
    tpu.enqueue_dma source(%dma_start3A_36 : memref<128xi32, #tpu.memory_space<hbm>>) target(%arg9 : memref<128xi32, #tpu.memory_space<vmem>>) target_semaphore(%arg16 : memref<!tpu.dma_semaphore, #tpu.memory_space<semaphore_mem>>)
    %scan3A = arith.constant 0 : i32
    %scan3A_37 = arith.constant 39 : i32
    %scan3A_38 = arith.addi %scan3A, %scan3A_37 : i32
    %scan3A_39 = arith.constant 1 : i32
    scf.for %scan3A_55 = %scan3A to %scan3A_38 step %scan3A_39  : i32 {
      %mul3A_56 = arith.constant 1 : i32
      %mul3A_57 = arith.muli %scan3A_55, %mul3A_56 : i32
      %add3A_58 = arith.constant 0 : i32
      %add3A_59 = arith.addi %add3A_58, %mul3A_57 : i32
      %mul3A_60 = arith.constant 2 : i32
      %mul3A_61 = arith.muli %mul3A_60, %add3A_59 : i32
      %add3A_62 = arith.constant 1 : i32
      %add3A_63 = arith.addi %mul3A_61, %add3A_62 : i32
      %mul3A_64 = arith.constant 128 : i32
      %mul3A_65 = arith.muli %add3A_63, %mul3A_64 : i32
      %dma_start3A_66 = tpu.memref_slice %arg8[%mul3A_65] : memref<9984xi32, #tpu.memory_space<vmem>> -> memref<128xi32, #tpu.memory_space<vmem>>
      %dma_start3A_67 = arith.constant 0 : i32
      %dma_start3A_68 = arith.constant 0 : i32
      %dma_start3A_69 = tpu.memref_slice %arg2[%dma_start3A_67, %dma_start3A_68] : memref<10000x128xf32, #tpu.memory_space<hbm>> -> memref<10000x128xf32, #tpu.memory_space<hbm>>
      tpu.enqueue_indirect_dma source(%dma_start3A_69 : memref<10000x128xf32, #tpu.memory_space<hbm>>) target(%arg12 : memref<128x128xf32, #tpu.memory_space<vmem>>) offsets(%dma_start3A_66 : memref<128xi32, #tpu.memory_space<vmem>>) semaphore(%arg19 : memref<!tpu.dma_semaphore, #tpu.memory_space<semaphore_mem>>)
      %mul3A_70 = arith.constant 128 : i32
      %mul3A_71 = arith.muli %add3A_63, %mul3A_70 : i32
      %add3A_72 = arith.addi %mul3A_4, %mul3A_71 : i32
      %dma_start3A_73 = tpu.memref_slice %arg5[%add3A_72] : memref<320000xi32, #tpu.memory_space<hbm>> -> memref<128xi32, #tpu.memory_space<hbm>>
      %dma_start3A_74 = tpu.memref_slice %arg5[%add3A_72] : memref<320000xi32, #tpu.memory_space<hbm>> -> memref<128xi32, #tpu.memory_space<hbm>>
      tpu.enqueue_dma source(%dma_start3A_74 : memref<128xi32, #tpu.memory_space<hbm>>) target(%arg10 : memref<128xi32, #tpu.memory_space<vmem>>) target_semaphore(%arg17 : memref<!tpu.dma_semaphore, #tpu.memory_space<semaphore_mem>>)
      %mul3A_75 = arith.constant 128 : i32
      %mul3A_76 = arith.muli %mul3A_61, %mul3A_75 : i32
      %dma_wait3A_77 = tpu.memref_slice %arg8[%mul3A_76] : memref<9984xi32, #tpu.memory_space<vmem>> -> memref<128xi32, #tpu.memory_space<vmem>>
      %dma_wait3A_78 = arith.constant 0 : i32
      %dma_wait3A_79 = arith.constant 0 : i32
      %dma_wait3A_80 = tpu.memref_slice %arg2[%dma_wait3A_78, %dma_wait3A_79] : memref<10000x128xf32, #tpu.memory_space<hbm>> -> memref<10000x128xf32, #tpu.memory_space<hbm>>
      tpu.wait_indirect_dma semaphore(%arg18 : memref<!tpu.dma_semaphore, #tpu.memory_space<semaphore_mem>>) src(%dma_wait3A_80 : memref<10000x128xf32, #tpu.memory_space<hbm>>) dst(%arg11 : memref<128x128xf32, #tpu.memory_space<vmem>>)
      %mul3A_81 = arith.constant 128 : i32
      %mul3A_82 = arith.muli %mul3A_61, %mul3A_81 : i32
      %add3A_83 = arith.addi %mul3A_4, %mul3A_82 : i32
      %dma_wait3A_84 = tpu.memref_slice %arg5[%add3A_83] : memref<320000xi32, #tpu.memory_space<hbm>> -> memref<128xi32, #tpu.memory_space<hbm>>
      %dma_wait3A_85 = tpu.memref_slice %arg5[%add3A_83] : memref<320000xi32, #tpu.memory_space<hbm>> -> memref<128xi32, #tpu.memory_space<hbm>>
      tpu.wait_dma2 semaphore(%arg16 : memref<!tpu.dma_semaphore, #tpu.memory_space<semaphore_mem>>) src(%dma_wait3A_85 : memref<128xi32, #tpu.memory_space<hbm>>) dst(%arg9 : memref<128xi32, #tpu.memory_space<vmem>>)
      "tpu.region"() ({
        %run_scoped3A = tpu.sem_alloc : memref<!tpu.dma_semaphore, #tpu.memory_space<semaphore_mem>>
        %dma_start3A_101 = arith.constant 0 : i32
        %dma_start3A_102 = arith.constant 0 : i32
        %dma_start3A_103 = tpu.memref_slice %arg7[%dma_start3A_101, %dma_start3A_102] : memref<10000x128xf32, #tpu.memory_space<vmem_shared>> -> memref<10000x128xf32, #tpu.memory_space<vmem_shared>>
        tpu.enqueue_indirect_dma source(%arg11 : memref<128x128xf32, #tpu.memory_space<vmem>>) target(%dma_start3A_103 : memref<10000x128xf32, #tpu.memory_space<vmem_shared>>) offsets(%arg9 : memref<128xi32, #tpu.memory_space<vmem>>) semaphore(%run_scoped3A : memref<!tpu.dma_semaphore, #tpu.memory_space<semaphore_mem>>) {add = true}
        %dma_wait3A_104 = arith.constant 0 : i32
        %dma_wait3A_105 = arith.constant 0 : i32
        %dma_wait3A_106 = tpu.memref_slice %arg7[%dma_wait3A_104, %dma_wait3A_105] : memref<10000x128xf32, #tpu.memory_space<vmem_shared>> -> memref<10000x128xf32, #tpu.memory_space<vmem_shared>>
        tpu.wait_indirect_dma semaphore(%run_scoped3A : memref<!tpu.dma_semaphore, #tpu.memory_space<semaphore_mem>>) src(%arg11 : memref<128x128xf32, #tpu.memory_space<vmem>>) dst(%dma_wait3A_106 : memref<10000x128xf32, #tpu.memory_space<vmem_shared>>)
        tpu.yield
      }) : () -> ()
      %lt3A = arith.constant 38 : i32
      %lt3A_86 = arith.cmpi slt, %add3A_59, %lt3A : i32
      %convert_element_type3A_87 = arith.extui %lt3A_86 : i1 to i32
      %cond3A_88 = arith.constant 0 : i32
      %cond3A_89 = arith.cmpi ne, %convert_element_type3A_87, %cond3A_88 : i32
      scf.if %cond3A_89 {
        %add3A_101 = arith.constant 2 : i32
        %add3A_102 = arith.addi %mul3A_61, %add3A_101 : i32
        %mul3A_103 = arith.constant 128 : i32
        %mul3A_104 = arith.muli %add3A_102, %mul3A_103 : i32
        %dma_start3A_105 = tpu.memref_slice %arg8[%mul3A_104] : memref<9984xi32, #tpu.memory_space<vmem>> -> memref<128xi32, #tpu.memory_space<vmem>>
        %dma_start3A_106 = arith.constant 0 : i32
        %dma_start3A_107 = arith.constant 0 : i32
        %dma_start3A_108 = tpu.memref_slice %arg2[%dma_start3A_106, %dma_start3A_107] : memref<10000x128xf32, #tpu.memory_space<hbm>> -> memref<10000x128xf32, #tpu.memory_space<hbm>>
        tpu.enqueue_indirect_dma source(%dma_start3A_108 : memref<10000x128xf32, #tpu.memory_space<hbm>>) target(%arg11 : memref<128x128xf32, #tpu.memory_space<vmem>>) offsets(%dma_start3A_105 : memref<128xi32, #tpu.memory_space<vmem>>) semaphore(%arg18 : memref<!tpu.dma_semaphore, #tpu.memory_space<semaphore_mem>>)
        %add3A_109 = arith.constant 2 : i32
        %add3A_110 = arith.addi %mul3A_61, %add3A_109 : i32
        %mul3A_111 = arith.constant 128 : i32
        %mul3A_112 = arith.muli %add3A_110, %mul3A_111 : i32
        %add3A_113 = arith.addi %mul3A_4, %mul3A_112 : i32
        %dma_start3A_114 = tpu.memref_slice %arg5[%add3A_113] : memref<320000xi32, #tpu.memory_space<hbm>> -> memref<128xi32, #tpu.memory_space<hbm>>
        %dma_start3A_115 = tpu.memref_slice %arg5[%add3A_113] : memref<320000xi32, #tpu.memory_space<hbm>> -> memref<128xi32, #tpu.memory_space<hbm>>
        tpu.enqueue_dma source(%dma_start3A_115 : memref<128xi32, #tpu.memory_space<hbm>>) target(%arg9 : memref<128xi32, #tpu.memory_space<vmem>>) target_semaphore(%arg16 : memref<!tpu.dma_semaphore, #tpu.memory_space<semaphore_mem>>)
      } else {
      }
      %mul3A_90 = arith.constant 128 : i32
      %mul3A_91 = arith.muli %add3A_63, %mul3A_90 : i32
      %dma_wait3A_92 = tpu.memref_slice %arg8[%mul3A_91] : memref<9984xi32, #tpu.memory_space<vmem>> -> memref<128xi32, #tpu.memory_space<vmem>>
      %dma_wait3A_93 = arith.constant 0 : i32
      %dma_wait3A_94 = arith.constant 0 : i32
      %dma_wait3A_95 = tpu.memref_slice %arg2[%dma_wait3A_93, %dma_wait3A_94] : memref<10000x128xf32, #tpu.memory_space<hbm>> -> memref<10000x128xf32, #tpu.memory_space<hbm>>
      tpu.wait_indirect_dma semaphore(%arg19 : memref<!tpu.dma_semaphore, #tpu.memory_space<semaphore_mem>>) src(%dma_wait3A_95 : memref<10000x128xf32, #tpu.memory_space<hbm>>) dst(%arg12 : memref<128x128xf32, #tpu.memory_space<vmem>>)
      %mul3A_96 = arith.constant 128 : i32
      %mul3A_97 = arith.muli %add3A_63, %mul3A_96 : i32
      %add3A_98 = arith.addi %mul3A_4, %mul3A_97 : i32
      %dma_wait3A_99 = tpu.memref_slice %arg5[%add3A_98] : memref<320000xi32, #tpu.memory_space<hbm>> -> memref<128xi32, #tpu.memory_space<hbm>>
      %dma_wait3A_100 = tpu.memref_slice %arg5[%add3A_98] : memref<320000xi32, #tpu.memory_space<hbm>> -> memref<128xi32, #tpu.memory_space<hbm>>
      tpu.wait_dma2 semaphore(%arg17 : memref<!tpu.dma_semaphore, #tpu.memory_space<semaphore_mem>>) src(%dma_wait3A_100 : memref<128xi32, #tpu.memory_space<hbm>>) dst(%arg10 : memref<128xi32, #tpu.memory_space<vmem>>)
      "tpu.region"() ({
        %run_scoped3A = tpu.sem_alloc : memref<!tpu.dma_semaphore, #tpu.memory_space<semaphore_mem>>
        %dma_start3A_101 = arith.constant 0 : i32
        %dma_start3A_102 = arith.constant 0 : i32
        %dma_start3A_103 = tpu.memref_slice %arg7[%dma_start3A_101, %dma_start3A_102] : memref<10000x128xf32, #tpu.memory_space<vmem_shared>> -> memref<10000x128xf32, #tpu.memory_space<vmem_shared>>
        tpu.enqueue_indirect_dma source(%arg12 : memref<128x128xf32, #tpu.memory_space<vmem>>) target(%dma_start3A_103 : memref<10000x128xf32, #tpu.memory_space<vmem_shared>>) offsets(%arg10 : memref<128xi32, #tpu.memory_space<vmem>>) semaphore(%run_scoped3A : memref<!tpu.dma_semaphore, #tpu.memory_space<semaphore_mem>>) {add = true}
        %dma_wait3A_104 = arith.constant 0 : i32
        %dma_wait3A_105 = arith.constant 0 : i32
        %dma_wait3A_106 = tpu.memref_slice %arg7[%dma_wait3A_104, %dma_wait3A_105] : memref<10000x128xf32, #tpu.memory_space<vmem_shared>> -> memref<10000x128xf32, #tpu.memory_space<vmem_shared>>
        tpu.wait_indirect_dma semaphore(%run_scoped3A : memref<!tpu.dma_semaphore, #tpu.memory_space<semaphore_mem>>) src(%arg12 : memref<128x128xf32, #tpu.memory_space<vmem>>) dst(%dma_wait3A_106 : memref<10000x128xf32, #tpu.memory_space<vmem_shared>>)
        tpu.yield
      }) : () -> ()
    }
    %scan3A_40 = arith.constant 39 : i32
    %add3A_41 = arith.constant 9984 : i32
    %add3A_42 = arith.addi %mul3A_4, %add3A_41 : i32
    "tpu.region"() ({
      %run_scoped3A = tpu.sem_alloc : memref<!tpu.dma_semaphore, #tpu.memory_space<semaphore_mem>>
      %dma_start3A_55 = tpu.memref_slice %arg4[%add3A_42] : memref<320000xi32, #tpu.memory_space<hbm>> -> memref<16xi32, #tpu.memory_space<hbm>>
      %dma_start3A_56 = tpu.memref_slice %arg4[%add3A_42] : memref<320000xi32, #tpu.memory_space<hbm>> -> memref<16xi32, #tpu.memory_space<hbm>>
      tpu.enqueue_dma source(%dma_start3A_56 : memref<16xi32, #tpu.memory_space<hbm>>) target(%arg13 : memref<16xi32, #tpu.memory_space<vmem>>) target_semaphore(%run_scoped3A : memref<!tpu.dma_semaphore, #tpu.memory_space<semaphore_mem>>)
      %dma_wait3A_57 = tpu.memref_slice %arg4[%add3A_42] : memref<320000xi32, #tpu.memory_space<hbm>> -> memref<16xi32, #tpu.memory_space<hbm>>
      %dma_wait3A_58 = tpu.memref_slice %arg4[%add3A_42] : memref<320000xi32, #tpu.memory_space<hbm>> -> memref<16xi32, #tpu.memory_space<hbm>>
      tpu.wait_dma2 semaphore(%run_scoped3A : memref<!tpu.dma_semaphore, #tpu.memory_space<semaphore_mem>>) src(%dma_wait3A_58 : memref<16xi32, #tpu.memory_space<hbm>>) dst(%arg13 : memref<16xi32, #tpu.memory_space<vmem>>)
      tpu.yield
    }) : () -> ()
    "tpu.region"() ({
      %run_scoped3A = tpu.sem_alloc : memref<!tpu.dma_semaphore, #tpu.memory_space<semaphore_mem>>
      %dma_start3A_55 = tpu.memref_slice %arg5[%add3A_42] : memref<320000xi32, #tpu.memory_space<hbm>> -> memref<16xi32, #tpu.memory_space<hbm>>
      %dma_start3A_56 = tpu.memref_slice %arg5[%add3A_42] : memref<320000xi32, #tpu.memory_space<hbm>> -> memref<16xi32, #tpu.memory_space<hbm>>
      tpu.enqueue_dma source(%dma_start3A_56 : memref<16xi32, #tpu.memory_space<hbm>>) target(%arg14 : memref<16xi32, #tpu.memory_space<vmem>>) target_semaphore(%run_scoped3A : memref<!tpu.dma_semaphore, #tpu.memory_space<semaphore_mem>>)
      %dma_wait3A_57 = tpu.memref_slice %arg5[%add3A_42] : memref<320000xi32, #tpu.memory_space<hbm>> -> memref<16xi32, #tpu.memory_space<hbm>>
      %dma_wait3A_58 = tpu.memref_slice %arg5[%add3A_42] : memref<320000xi32, #tpu.memory_space<hbm>> -> memref<16xi32, #tpu.memory_space<hbm>>
      tpu.wait_dma2 semaphore(%run_scoped3A : memref<!tpu.dma_semaphore, #tpu.memory_space<semaphore_mem>>) src(%dma_wait3A_58 : memref<16xi32, #tpu.memory_space<hbm>>) dst(%arg14 : memref<16xi32, #tpu.memory_space<vmem>>)
      tpu.yield
    }) : () -> ()
    %dma_start3A_43 = arith.constant 0 : i32
    %dma_start3A_44 = arith.constant 0 : i32
    %dma_start3A_45 = tpu.memref_slice %arg2[%dma_start3A_43, %dma_start3A_44] : memref<10000x128xf32, #tpu.memory_space<hbm>> -> memref<10000x128xf32, #tpu.memory_space<hbm>>
    tpu.enqueue_indirect_dma source(%dma_start3A_45 : memref<10000x128xf32, #tpu.memory_space<hbm>>) target(%arg15 : memref<16x128xf32, #tpu.memory_space<vmem>>) offsets(%arg13 : memref<16xi32, #tpu.memory_space<vmem>>) semaphore(%arg18 : memref<!tpu.dma_semaphore, #tpu.memory_space<semaphore_mem>>)
    %dma_wait3A_46 = arith.constant 0 : i32
    %dma_wait3A_47 = arith.constant 0 : i32
    %dma_wait3A_48 = tpu.memref_slice %arg2[%dma_wait3A_46, %dma_wait3A_47] : memref<10000x128xf32, #tpu.memory_space<hbm>> -> memref<10000x128xf32, #tpu.memory_space<hbm>>
    tpu.wait_indirect_dma semaphore(%arg18 : memref<!tpu.dma_semaphore, #tpu.memory_space<semaphore_mem>>) src(%dma_wait3A_48 : memref<10000x128xf32, #tpu.memory_space<hbm>>) dst(%arg15 : memref<16x128xf32, #tpu.memory_space<vmem>>)
    "tpu.region"() ({
      %run_scoped3A = tpu.sem_alloc : memref<!tpu.dma_semaphore, #tpu.memory_space<semaphore_mem>>
      %dma_start3A_55 = arith.constant 0 : i32
      %dma_start3A_56 = arith.constant 0 : i32
      %dma_start3A_57 = tpu.memref_slice %arg7[%dma_start3A_55, %dma_start3A_56] : memref<10000x128xf32, #tpu.memory_space<vmem_shared>> -> memref<10000x128xf32, #tpu.memory_space<vmem_shared>>
      tpu.enqueue_indirect_dma source(%arg15 : memref<16x128xf32, #tpu.memory_space<vmem>>) target(%dma_start3A_57 : memref<10000x128xf32, #tpu.memory_space<vmem_shared>>) offsets(%arg14 : memref<16xi32, #tpu.memory_space<vmem>>) semaphore(%run_scoped3A : memref<!tpu.dma_semaphore, #tpu.memory_space<semaphore_mem>>) {add = true}
      %dma_wait3A_58 = arith.constant 0 : i32
      %dma_wait3A_59 = arith.constant 0 : i32
      %dma_wait3A_60 = tpu.memref_slice %arg7[%dma_wait3A_58, %dma_wait3A_59] : memref<10000x128xf32, #tpu.memory_space<vmem_shared>> -> memref<10000x128xf32, #tpu.memory_space<vmem_shared>>
      tpu.wait_indirect_dma semaphore(%run_scoped3A : memref<!tpu.dma_semaphore, #tpu.memory_space<semaphore_mem>>) src(%arg15 : memref<16x128xf32, #tpu.memory_space<vmem>>) dst(%dma_wait3A_60 : memref<10000x128xf32, #tpu.memory_space<vmem_shared>>)
      tpu.yield
    }) : () -> ()
    %barrier3A_49 = arith.constant 0 : index
    tpu.barrier barrier_id(%barrier3A_49)
    "tpu.region"() ({
      %run_scoped3A = tpu.sem_alloc : memref<!tpu.dma_semaphore, #tpu.memory_space<semaphore_mem>>
      %dma_start3A_55 = arith.constant 0 : i32
      %dma_start3A_56 = tpu.memref_slice %arg6[%arg0, %mul3A_2, %dma_start3A_55] : memref<2x10000x128xf32, #tpu.memory_space<hbm>> -> memref<1x624x128xf32, #tpu.memory_space<hbm>>
      %dma_start3A_57 = tpu.memref_squeeze %dma_start3A_56 : memref<1x624x128xf32, #tpu.memory_space<hbm>> -> memref<624x128xf32, #tpu.memory_space<hbm>>
      %dma_start3A_58 = arith.constant 0 : i32
      %dma_start3A_59 = tpu.memref_slice %arg7[%mul3A_2, %dma_start3A_58] : memref<10000x128xf32, #tpu.memory_space<vmem_shared>> -> memref<624x128xf32, #tpu.memory_space<vmem_shared>>
      tpu.enqueue_dma source(%dma_start3A_59 : memref<624x128xf32, #tpu.memory_space<vmem_shared>>) target(%dma_start3A_57 : memref<624x128xf32, #tpu.memory_space<hbm>>) target_semaphore(%run_scoped3A : memref<!tpu.dma_semaphore, #tpu.memory_space<semaphore_mem>>)
      %dma_wait3A_60 = arith.constant 0 : i32
      %dma_wait3A_61 = tpu.memref_slice %arg6[%arg0, %mul3A_2, %dma_wait3A_60] : memref<2x10000x128xf32, #tpu.memory_space<hbm>> -> memref<1x624x128xf32, #tpu.memory_space<hbm>>
      %dma_wait3A_62 = tpu.memref_squeeze %dma_wait3A_61 : memref<1x624x128xf32, #tpu.memory_space<hbm>> -> memref<624x128xf32, #tpu.memory_space<hbm>>
      %dma_wait3A_63 = arith.constant 0 : i32
      %dma_wait3A_64 = tpu.memref_slice %arg7[%mul3A_2, %dma_wait3A_63] : memref<10000x128xf32, #tpu.memory_space<vmem_shared>> -> memref<624x128xf32, #tpu.memory_space<vmem_shared>>
      tpu.wait_dma2 semaphore(%run_scoped3A : memref<!tpu.dma_semaphore, #tpu.memory_space<semaphore_mem>>) src(%dma_wait3A_64 : memref<624x128xf32, #tpu.memory_space<vmem_shared>>) dst(%dma_wait3A_62 : memref<624x128xf32, #tpu.memory_space<hbm>>)
      tpu.yield
    }) : () -> ()
    %eq3A_50 = arith.constant 15 : i32
    %eq3A_51 = arith.cmpi eq, %arg1, %eq3A_50 : i32
    %convert_element_type3A_52 = arith.extui %eq3A_51 : i1 to i32
    %cond3A_53 = arith.constant 0 : i32
    %cond3A_54 = arith.cmpi ne, %convert_element_type3A_52, %cond3A_53 : i32
    scf.if %cond3A_54 {
      "tpu.region"() ({
        %run_scoped3A = tpu.sem_alloc : memref<!tpu.dma_semaphore, #tpu.memory_space<semaphore_mem>>
        %dma_start3A_55 = arith.constant 9984 : i32
        %dma_start3A_56 = arith.constant 0 : i32
        %dma_start3A_57 = tpu.memref_slice %arg6[%arg0, %dma_start3A_55, %dma_start3A_56] : memref<2x10000x128xf32, #tpu.memory_space<hbm>> -> memref<1x16x128xf32, #tpu.memory_space<hbm>>
        %dma_start3A_58 = tpu.memref_squeeze %dma_start3A_57 : memref<1x16x128xf32, #tpu.memory_space<hbm>> -> memref<16x128xf32, #tpu.memory_space<hbm>>
        %dma_start3A_59 = arith.constant 9984 : i32
        %dma_start3A_60 = arith.constant 0 : i32
        %dma_start3A_61 = tpu.memref_slice %arg7[%dma_start3A_59, %dma_start3A_60] : memref<10000x128xf32, #tpu.memory_space<vmem_shared>> -> memref<16x128xf32, #tpu.memory_space<vmem_shared>>
        tpu.enqueue_dma source(%dma_start3A_61 : memref<16x128xf32, #tpu.memory_space<vmem_shared>>) target(%dma_start3A_58 : memref<16x128xf32, #tpu.memory_space<hbm>>) target_semaphore(%run_scoped3A : memref<!tpu.dma_semaphore, #tpu.memory_space<semaphore_mem>>)
        %dma_wait3A_62 = arith.constant 9984 : i32
        %dma_wait3A_63 = arith.constant 0 : i32
        %dma_wait3A_64 = tpu.memref_slice %arg6[%arg0, %dma_wait3A_62, %dma_wait3A_63] : memref<2x10000x128xf32, #tpu.memory_space<hbm>> -> memref<1x16x128xf32, #tpu.memory_space<hbm>>
        %dma_wait3A_65 = tpu.memref_squeeze %dma_wait3A_64 : memref<1x16x128xf32, #tpu.memory_space<hbm>> -> memref<16x128xf32, #tpu.memory_space<hbm>>
        %dma_wait3A_66 = arith.constant 9984 : i32
        %dma_wait3A_67 = arith.constant 0 : i32
        %dma_wait3A_68 = tpu.memref_slice %arg7[%dma_wait3A_66, %dma_wait3A_67] : memref<10000x128xf32, #tpu.memory_space<vmem_shared>> -> memref<16x128xf32, #tpu.memory_space<vmem_shared>>
        tpu.wait_dma2 semaphore(%run_scoped3A : memref<!tpu.dma_semaphore, #tpu.memory_space<semaphore_mem>>) src(%dma_wait3A_68 : memref<16x128xf32, #tpu.memory_space<vmem_shared>>) dst(%dma_wait3A_65 : memref<16x128xf32, #tpu.memory_space<hbm>>)
        tpu.yield
      }) : () -> ()
    } else {
    }
    return
  }
}

#map = affine_map<(d0, d1) -> (0, 0)>
#map1 = affine_map<(d0, d1) -> (0)>
module attributes {stable_mosaic.version = 14 : i64} {
  func.func @k(%arg0: i32, %arg1: i32, %arg2: memref<20000x128xf32, #tpu.memory_space<hbm>>, %arg3: memref<1024xi32, #tpu.memory_space<hbm>>, %arg4: memref<1024x128xf32, #tpu.memory_space<hbm>>, %arg5: memref<32xi32, #tpu.memory_space<vmem>>, %arg6: memref<32x128xf32, #tpu.memory_space<vmem>>, %arg7: memref<!tpu.dma_semaphore, #tpu.memory_space<semaphore_mem>>) attributes {dimension_semantics = [#tpu.dimension_semantics<core_parallel>, #tpu.dimension_semantics<subcore_parallel>], iteration_bounds = array<i64: 2, 16>, scalar_prefetch = 0 : i64, scratch_operands = 3 : i64, tpu.core_type = #tpu.core_type<sc_vector_subcore>, window_params = [{transform_indices = #map}, {transform_indices = #map1}, {transform_indices = #map}]} {
    %mul3A = arith.constant 2 : i32
    %mul3A_0 = arith.muli %arg1, %mul3A : i32
    %add3A = arith.addi %mul3A_0, %arg0 : i32
    %mul3A_1 = arith.constant 32 : i32
    %mul3A_2 = arith.muli %add3A, %mul3A_1 : i32
    "tpu.region"() ({
      %run_scoped3A = tpu.sem_alloc : memref<!tpu.dma_semaphore, #tpu.memory_space<semaphore_mem>>
      %dma_start3A_9 = tpu.memref_slice %arg3[%mul3A_2] : memref<1024xi32, #tpu.memory_space<hbm>> -> memref<32xi32, #tpu.memory_space<hbm>>
      %dma_start3A_10 = tpu.memref_slice %arg3[%mul3A_2] : memref<1024xi32, #tpu.memory_space<hbm>> -> memref<32xi32, #tpu.memory_space<hbm>>
      tpu.enqueue_dma source(%dma_start3A_10 : memref<32xi32, #tpu.memory_space<hbm>>) target(%arg5 : memref<32xi32, #tpu.memory_space<vmem>>) target_semaphore(%run_scoped3A : memref<!tpu.dma_semaphore, #tpu.memory_space<semaphore_mem>>)
      %dma_wait3A_11 = tpu.memref_slice %arg3[%mul3A_2] : memref<1024xi32, #tpu.memory_space<hbm>> -> memref<32xi32, #tpu.memory_space<hbm>>
      %dma_wait3A_12 = tpu.memref_slice %arg3[%mul3A_2] : memref<1024xi32, #tpu.memory_space<hbm>> -> memref<32xi32, #tpu.memory_space<hbm>>
      tpu.wait_dma2 semaphore(%run_scoped3A : memref<!tpu.dma_semaphore, #tpu.memory_space<semaphore_mem>>) src(%dma_wait3A_12 : memref<32xi32, #tpu.memory_space<hbm>>) dst(%arg5 : memref<32xi32, #tpu.memory_space<vmem>>)
      tpu.yield
    }) : () -> ()
    %dma_start3A = arith.constant 0 : i32
    %dma_start3A_3 = arith.constant 0 : i32
    %dma_start3A_4 = tpu.memref_slice %arg2[%dma_start3A, %dma_start3A_3] : memref<20000x128xf32, #tpu.memory_space<hbm>> -> memref<20000x128xf32, #tpu.memory_space<hbm>>
    tpu.enqueue_indirect_dma source(%dma_start3A_4 : memref<20000x128xf32, #tpu.memory_space<hbm>>) target(%arg6 : memref<32x128xf32, #tpu.memory_space<vmem>>) offsets(%arg5 : memref<32xi32, #tpu.memory_space<vmem>>) semaphore(%arg7 : memref<!tpu.dma_semaphore, #tpu.memory_space<semaphore_mem>>)
    %dma_wait3A = arith.constant 0 : i32
    %dma_wait3A_5 = arith.constant 0 : i32
    %dma_wait3A_6 = tpu.memref_slice %arg2[%dma_wait3A, %dma_wait3A_5] : memref<20000x128xf32, #tpu.memory_space<hbm>> -> memref<20000x128xf32, #tpu.memory_space<hbm>>
    tpu.wait_indirect_dma semaphore(%arg7 : memref<!tpu.dma_semaphore, #tpu.memory_space<semaphore_mem>>) src(%dma_wait3A_6 : memref<20000x128xf32, #tpu.memory_space<hbm>>) dst(%arg6 : memref<32x128xf32, #tpu.memory_space<vmem>>)
    %mul3A_7 = arith.constant 32 : i32
    %mul3A_8 = arith.muli %add3A, %mul3A_7 : i32
    "tpu.region"() ({
      %run_scoped3A = tpu.sem_alloc : memref<!tpu.dma_semaphore, #tpu.memory_space<semaphore_mem>>
      %dma_start3A_9 = arith.constant 0 : i32
      %dma_start3A_10 = tpu.memref_slice %arg4[%mul3A_8, %dma_start3A_9] : memref<1024x128xf32, #tpu.memory_space<hbm>> -> memref<32x128xf32, #tpu.memory_space<hbm>>
      %dma_start3A_11 = arith.constant 0 : i32
      %dma_start3A_12 = tpu.memref_slice %arg4[%mul3A_8, %dma_start3A_11] : memref<1024x128xf32, #tpu.memory_space<hbm>> -> memref<32x128xf32, #tpu.memory_space<hbm>>
      tpu.enqueue_dma source(%arg6 : memref<32x128xf32, #tpu.memory_space<vmem>>) target(%dma_start3A_12 : memref<32x128xf32, #tpu.memory_space<hbm>>) target_semaphore(%run_scoped3A : memref<!tpu.dma_semaphore, #tpu.memory_space<semaphore_mem>>)
      %dma_wait3A_13 = arith.constant 0 : i32
      %dma_wait3A_14 = tpu.memref_slice %arg4[%mul3A_8, %dma_wait3A_13] : memref<1024x128xf32, #tpu.memory_space<hbm>> -> memref<32x128xf32, #tpu.memory_space<hbm>>
      %dma_wait3A_15 = arith.constant 0 : i32
      %dma_wait3A_16 = tpu.memref_slice %arg4[%mul3A_8, %dma_wait3A_15] : memref<1024x128xf32, #tpu.memory_space<hbm>> -> memref<32x128xf32, #tpu.memory_space<hbm>>
      tpu.wait_dma2 semaphore(%run_scoped3A : memref<!tpu.dma_semaphore, #tpu.memory_space<semaphore_mem>>) src(%arg6 : memref<32x128xf32, #tpu.memory_space<vmem>>) dst(%dma_wait3A_16 : memref<32x128xf32, #tpu.memory_space<hbm>>)
      tpu.yield
    }) : () -> ()
    return
  }
}

#map = affine_map<(d0, d1) -> (0, 0)>
#map1 = affine_map<(d0, d1) -> (0)>
#map2 = affine_map<(d0, d1) -> (0, 0, 0)>
module attributes {stable_mosaic.version = 14 : i64} {
  func.func @k(%arg0: i32, %arg1: i32, %arg2: memref<10000x128xf32, #tpu.memory_space<hbm>>, %arg3: memref<10000x128xf32, #tpu.memory_space<hbm>>, %arg4: memref<320000xi32, #tpu.memory_space<hbm>>, %arg5: memref<320000xi32, #tpu.memory_space<hbm>>, %arg6: memref<2x10000x128xf32, #tpu.memory_space<hbm>>, %arg7: memref<10000x128xf32, #tpu.memory_space<vmem_shared>>, %arg8: memref<9984xi32, #tpu.memory_space<vmem>>, %arg9: memref<128xi32, #tpu.memory_space<vmem>>, %arg10: memref<128xi32, #tpu.memory_space<vmem>>, %arg11: memref<128x128xf32, #tpu.memory_space<vmem>>, %arg12: memref<128x128xf32, #tpu.memory_space<vmem>>, %arg13: memref<16xi32, #tpu.memory_space<vmem>>, %arg14: memref<16xi32, #tpu.memory_space<vmem>>, %arg15: memref<16x128xf32, #tpu.memory_space<vmem>>, %arg16: memref<!tpu.dma_semaphore, #tpu.memory_space<semaphore_mem>>, %arg17: memref<!tpu.dma_semaphore, #tpu.memory_space<semaphore_mem>>, %arg18: memref<!tpu.dma_semaphore, #tpu.memory_space<semaphore_mem>>, %arg19: memref<!tpu.dma_semaphore, #tpu.memory_space<semaphore_mem>>) attributes {dimension_semantics = [#tpu.dimension_semantics<core_parallel>, #tpu.dimension_semantics<subcore_parallel>], iteration_bounds = array<i64: 2, 16>, scalar_prefetch = 0 : i64, scratch_operands = 13 : i64, tpu.core_type = #tpu.core_type<sc_vector_subcore>, window_params = [{transform_indices = #map}, {transform_indices = #map}, {transform_indices = #map1}, {transform_indices = #map1}, {transform_indices = #map2}]} {
    %mul3A = arith.constant 2 : i32
    %mul3A_0 = arith.muli %arg1, %mul3A : i32
    %add3A = arith.addi %mul3A_0, %arg0 : i32
    %mul3A_1 = arith.constant 624 : i32
    %mul3A_2 = arith.muli %arg1, %mul3A_1 : i32
    %mul3A_3 = arith.constant 10000 : i32
    %mul3A_4 = arith.muli %add3A, %mul3A_3 : i32
    %dma_start3A = tpu.memref_slice %arg4[%mul3A_4] : memref<320000xi32, #tpu.memory_space<hbm>> -> memref<9984xi32, #tpu.memory_space<hbm>>
    %dma_start3A_5 = tpu.memref_slice %arg4[%mul3A_4] : memref<320000xi32, #tpu.memory_space<hbm>> -> memref<9984xi32, #tpu.memory_space<hbm>>
    tpu.enqueue_dma source(%dma_start3A_5 : memref<9984xi32, #tpu.memory_space<hbm>>) target(%arg8 : memref<9984xi32, #tpu.memory_space<vmem>>) target_semaphore(%arg16 : memref<!tpu.dma_semaphore, #tpu.memory_space<semaphore_mem>>)
    %eq3A = arith.constant 0 : i32
    %eq3A_6 = arith.cmpi eq, %arg0, %eq3A : i32
    %convert_element_type3A = arith.extui %eq3A_6 : i1 to i32
    %cond3A = arith.constant 0 : i32
    %cond3A_7 = arith.cmpi ne, %convert_element_type3A, %cond3A : i32
    scf.if %cond3A_7 {
      "tpu.region"() ({
        %run_scoped3A = tpu.sem_alloc : memref<!tpu.dma_semaphore, #tpu.memory_space<semaphore_mem>>
        %dma_start3A_55 = arith.constant 0 : i32
        %dma_start3A_56 = tpu.memref_slice %arg7[%mul3A_2, %dma_start3A_55] : memref<10000x128xf32, #tpu.memory_space<vmem_shared>> -> memref<624x128xf32, #tpu.memory_space<vmem_shared>>
        %dma_start3A_57 = arith.constant 0 : i32
        %dma_start3A_58 = tpu.memref_slice %arg2[%mul3A_2, %dma_start3A_57] : memref<10000x128xf32, #tpu.memory_space<hbm>> -> memref<624x128xf32, #tpu.memory_space<hbm>>
        tpu.enqueue_dma source(%dma_start3A_58 : memref<624x128xf32, #tpu.memory_space<hbm>>) target(%dma_start3A_56 : memref<624x128xf32, #tpu.memory_space<vmem_shared>>) target_semaphore(%run_scoped3A : memref<!tpu.dma_semaphore, #tpu.memory_space<semaphore_mem>>)
        %dma_wait3A_59 = arith.constant 0 : i32
        %dma_wait3A_60 = tpu.memref_slice %arg7[%mul3A_2, %dma_wait3A_59] : memref<10000x128xf32, #tpu.memory_space<vmem_shared>> -> memref<624x128xf32, #tpu.memory_space<vmem_shared>>
        %dma_wait3A_61 = arith.constant 0 : i32
        %dma_wait3A_62 = tpu.memref_slice %arg2[%mul3A_2, %dma_wait3A_61] : memref<10000x128xf32, #tpu.memory_space<hbm>> -> memref<624x128xf32, #tpu.memory_space<hbm>>
        tpu.wait_dma2 semaphore(%run_scoped3A : memref<!tpu.dma_semaphore, #tpu.memory_space<semaphore_mem>>) src(%dma_wait3A_62 : memref<624x128xf32, #tpu.memory_space<hbm>>) dst(%dma_wait3A_60 : memref<624x128xf32, #tpu.memory_space<vmem_shared>>)
        tpu.yield
      }) : () -> ()
    } else {
    }
    %ne3A = arith.constant 0 : i32
    %ne3A_8 = arith.cmpi ne, %arg0, %ne3A : i32
    %convert_element_type3A_9 = arith.extui %ne3A_8 : i1 to i32
    %cond3A_10 = arith.constant 0 : i32
    %cond3A_11 = arith.cmpi ne, %convert_element_type3A_9, %cond3A_10 : i32
    scf.if %cond3A_11 {
      "tpu.region"() ({
        %run_scoped3A = tpu.sem_alloc : memref<!tpu.dma_semaphore, #tpu.memory_space<semaphore_mem>>
        %dma_start3A_55 = arith.constant 0 : i32
        %dma_start3A_56 = tpu.memref_slice %arg7[%mul3A_2, %dma_start3A_55] : memref<10000x128xf32, #tpu.memory_space<vmem_shared>> -> memref<624x128xf32, #tpu.memory_space<vmem_shared>>
        %dma_start3A_57 = arith.constant 0 : i32
        %dma_start3A_58 = tpu.memref_slice %arg3[%mul3A_2, %dma_start3A_57] : memref<10000x128xf32, #tpu.memory_space<hbm>> -> memref<624x128xf32, #tpu.memory_space<hbm>>
        tpu.enqueue_dma source(%dma_start3A_58 : memref<624x128xf32, #tpu.memory_space<hbm>>) target(%dma_start3A_56 : memref<624x128xf32, #tpu.memory_space<vmem_shared>>) target_semaphore(%run_scoped3A : memref<!tpu.dma_semaphore, #tpu.memory_space<semaphore_mem>>)
        %dma_wait3A_59 = arith.constant 0 : i32
        %dma_wait3A_60 = tpu.memref_slice %arg7[%mul3A_2, %dma_wait3A_59] : memref<10000x128xf32, #tpu.memory_space<vmem_shared>> -> memref<624x128xf32, #tpu.memory_space<vmem_shared>>
        %dma_wait3A_61 = arith.constant 0 : i32
        %dma_wait3A_62 = tpu.memref_slice %arg3[%mul3A_2, %dma_wait3A_61] : memref<10000x128xf32, #tpu.memory_space<hbm>> -> memref<624x128xf32, #tpu.memory_space<hbm>>
        tpu.wait_dma2 semaphore(%run_scoped3A : memref<!tpu.dma_semaphore, #tpu.memory_space<semaphore_mem>>) src(%dma_wait3A_62 : memref<624x128xf32, #tpu.memory_space<hbm>>) dst(%dma_wait3A_60 : memref<624x128xf32, #tpu.memory_space<vmem_shared>>)
        tpu.yield
      }) : () -> ()
    } else {
    }
    %eq3A_12 = arith.constant 0 : i32
    %eq3A_13 = arith.cmpi eq, %arg0, %eq3A_12 : i32
    %eq3A_14 = arith.constant 15 : i32
    %eq3A_15 = arith.cmpi eq, %arg1, %eq3A_14 : i32
    %and3A = arith.andi %eq3A_13, %eq3A_15 : i1
    %convert_element_type3A_16 = arith.extui %and3A : i1 to i32
    %cond3A_17 = arith.constant 0 : i32
    %cond3A_18 = arith.cmpi ne, %convert_element_type3A_16, %cond3A_17 : i32
    scf.if %cond3A_18 {
      "tpu.region"() ({
        %run_scoped3A = tpu.sem_alloc : memref<!tpu.dma_semaphore, #tpu.memory_space<semaphore_mem>>
        %dma_start3A_55 = arith.constant 9984 : i32
        %dma_start3A_56 = arith.constant 0 : i32
        %dma_start3A_57 = tpu.memref_slice %arg7[%dma_start3A_55, %dma_start3A_56] : memref<10000x128xf32, #tpu.memory_space<vmem_shared>> -> memref<16x128xf32, #tpu.memory_space<vmem_shared>>
        %dma_start3A_58 = arith.constant 9984 : i32
        %dma_start3A_59 = arith.constant 0 : i32
        %dma_start3A_60 = tpu.memref_slice %arg2[%dma_start3A_58, %dma_start3A_59] : memref<10000x128xf32, #tpu.memory_space<hbm>> -> memref<16x128xf32, #tpu.memory_space<hbm>>
        tpu.enqueue_dma source(%dma_start3A_60 : memref<16x128xf32, #tpu.memory_space<hbm>>) target(%dma_start3A_57 : memref<16x128xf32, #tpu.memory_space<vmem_shared>>) target_semaphore(%run_scoped3A : memref<!tpu.dma_semaphore, #tpu.memory_space<semaphore_mem>>)
        %dma_wait3A_61 = arith.constant 9984 : i32
        %dma_wait3A_62 = arith.constant 0 : i32
        %dma_wait3A_63 = tpu.memref_slice %arg7[%dma_wait3A_61, %dma_wait3A_62] : memref<10000x128xf32, #tpu.memory_space<vmem_shared>> -> memref<16x128xf32, #tpu.memory_space<vmem_shared>>
        %dma_wait3A_64 = arith.constant 9984 : i32
        %dma_wait3A_65 = arith.constant 0 : i32
        %dma_wait3A_66 = tpu.memref_slice %arg2[%dma_wait3A_64, %dma_wait3A_65] : memref<10000x128xf32, #tpu.memory_space<hbm>> -> memref<16x128xf32, #tpu.memory_space<hbm>>
        tpu.wait_dma2 semaphore(%run_scoped3A : memref<!tpu.dma_semaphore, #tpu.memory_space<semaphore_mem>>) src(%dma_wait3A_66 : memref<16x128xf32, #tpu.memory_space<hbm>>) dst(%dma_wait3A_63 : memref<16x128xf32, #tpu.memory_space<vmem_shared>>)
        tpu.yield
      }) : () -> ()
    } else {
    }
    %ne3A_19 = arith.constant 0 : i32
    %ne3A_20 = arith.cmpi ne, %arg0, %ne3A_19 : i32
    %eq3A_21 = arith.constant 15 : i32
    %eq3A_22 = arith.cmpi eq, %arg1, %eq3A_21 : i32
    %and3A_23 = arith.andi %ne3A_20, %eq3A_22 : i1
    %convert_element_type3A_24 = arith.extui %and3A_23 : i1 to i32
    %cond3A_25 = arith.constant 0 : i32
    %cond3A_26 = arith.cmpi ne, %convert_element_type3A_24, %cond3A_25 : i32
    scf.if %cond3A_26 {
      "tpu.region"() ({
        %run_scoped3A = tpu.sem_alloc : memref<!tpu.dma_semaphore, #tpu.memory_space<semaphore_mem>>
        %dma_start3A_55 = arith.constant 9984 : i32
        %dma_start3A_56 = arith.constant 0 : i32
        %dma_start3A_57 = tpu.memref_slice %arg7[%dma_start3A_55, %dma_start3A_56] : memref<10000x128xf32, #tpu.memory_space<vmem_shared>> -> memref<16x128xf32, #tpu.memory_space<vmem_shared>>
        %dma_start3A_58 = arith.constant 9984 : i32
        %dma_start3A_59 = arith.constant 0 : i32
        %dma_start3A_60 = tpu.memref_slice %arg3[%dma_start3A_58, %dma_start3A_59] : memref<10000x128xf32, #tpu.memory_space<hbm>> -> memref<16x128xf32, #tpu.memory_space<hbm>>
        tpu.enqueue_dma source(%dma_start3A_60 : memref<16x128xf32, #tpu.memory_space<hbm>>) target(%dma_start3A_57 : memref<16x128xf32, #tpu.memory_space<vmem_shared>>) target_semaphore(%run_scoped3A : memref<!tpu.dma_semaphore, #tpu.memory_space<semaphore_mem>>)
        %dma_wait3A_61 = arith.constant 9984 : i32
        %dma_wait3A_62 = arith.constant 0 : i32
        %dma_wait3A_63 = tpu.memref_slice %arg7[%dma_wait3A_61, %dma_wait3A_62] : memref<10000x128xf32, #tpu.memory_space<vmem_shared>> -> memref<16x128xf32, #tpu.memory_space<vmem_shared>>
        %dma_wait3A_64 = arith.constant 9984 : i32
        %dma_wait3A_65 = arith.constant 0 : i32
        %dma_wait3A_66 = tpu.memref_slice %arg3[%dma_wait3A_64, %dma_wait3A_65] : memref<10000x128xf32, #tpu.memory_space<hbm>> -> memref<16x128xf32, #tpu.memory_space<hbm>>
        tpu.wait_dma2 semaphore(%run_scoped3A : memref<!tpu.dma_semaphore, #tpu.memory_space<semaphore_mem>>) src(%dma_wait3A_66 : memref<16x128xf32, #tpu.memory_space<hbm>>) dst(%dma_wait3A_63 : memref<16x128xf32, #tpu.memory_space<vmem_shared>>)
        tpu.yield
      }) : () -> ()
    } else {
    }
    %dma_wait3A = tpu.memref_slice %arg4[%mul3A_4] : memref<320000xi32, #tpu.memory_space<hbm>> -> memref<9984xi32, #tpu.memory_space<hbm>>
    %dma_wait3A_27 = tpu.memref_slice %arg4[%mul3A_4] : memref<320000xi32, #tpu.memory_space<hbm>> -> memref<9984xi32, #tpu.memory_space<hbm>>
    tpu.wait_dma2 semaphore(%arg16 : memref<!tpu.dma_semaphore, #tpu.memory_space<semaphore_mem>>) src(%dma_wait3A_27 : memref<9984xi32, #tpu.memory_space<hbm>>) dst(%arg8 : memref<9984xi32, #tpu.memory_space<vmem>>)
    %barrier3A = arith.constant 0 : index
    tpu.barrier barrier_id(%barrier3A)
    %dma_start3A_28 = arith.constant 0 : i32
    %dma_start3A_29 = tpu.memref_slice %arg8[%dma_start3A_28] : memref<9984xi32, #tpu.memory_space<vmem>> -> memref<128xi32, #tpu.memory_space<vmem>>
    %dma_start3A_30 = arith.constant 0 : i32
    %dma_start3A_31 = arith.constant 0 : i32
    %dma_start3A_32 = tpu.memref_slice %arg2[%dma_start3A_30, %dma_start3A_31] : memref<10000x128xf32, #tpu.memory_space<hbm>> -> memref<10000x128xf32, #tpu.memory_space<hbm>>
    tpu.enqueue_indirect_dma source(%dma_start3A_32 : memref<10000x128xf32, #tpu.memory_space<hbm>>) target(%arg11 : memref<128x128xf32, #tpu.memory_space<vmem>>) offsets(%dma_start3A_29 : memref<128xi32, #tpu.memory_space<vmem>>) semaphore(%arg18 : memref<!tpu.dma_semaphore, #tpu.memory_space<semaphore_mem>>)
    %add3A_33 = arith.constant 0 : i32
    %add3A_34 = arith.addi %mul3A_4, %add3A_33 : i32
    %dma_start3A_35 = tpu.memref_slice %arg5[%add3A_34] : memref<320000xi32, #tpu.memory_space<hbm>> -> memref<128xi32, #tpu.memory_space<hbm>>
    %dma_start3A_36 = tpu.memref_slice %arg5[%add3A_34] : memref<320000xi32, #tpu.memory_space<hbm>> -> memref<128xi32, #tpu.memory_space<hbm>>
    tpu.enqueue_dma source(%dma_start3A_36 : memref<128xi32, #tpu.memory_space<hbm>>) target(%arg9 : memref<128xi32, #tpu.memory_space<vmem>>) target_semaphore(%arg16 : memref<!tpu.dma_semaphore, #tpu.memory_space<semaphore_mem>>)
    %scan3A = arith.constant 0 : i32
    %scan3A_37 = arith.constant 39 : i32
    %scan3A_38 = arith.addi %scan3A, %scan3A_37 : i32
    %scan3A_39 = arith.constant 1 : i32
    scf.for %scan3A_55 = %scan3A to %scan3A_38 step %scan3A_39  : i32 {
      %mul3A_56 = arith.constant 1 : i32
      %mul3A_57 = arith.muli %scan3A_55, %mul3A_56 : i32
      %add3A_58 = arith.constant 0 : i32
      %add3A_59 = arith.addi %add3A_58, %mul3A_57 : i32
      %mul3A_60 = arith.constant 2 : i32
      %mul3A_61 = arith.muli %mul3A_60, %add3A_59 : i32
      %add3A_62 = arith.constant 1 : i32
      %add3A_63 = arith.addi %mul3A_61, %add3A_62 : i32
      %mul3A_64 = arith.constant 128 : i32
      %mul3A_65 = arith.muli %add3A_63, %mul3A_64 : i32
      %dma_start3A_66 = tpu.memref_slice %arg8[%mul3A_65] : memref<9984xi32, #tpu.memory_space<vmem>> -> memref<128xi32, #tpu.memory_space<vmem>>
      %dma_start3A_67 = arith.constant 0 : i32
      %dma_start3A_68 = arith.constant 0 : i32
      %dma_start3A_69 = tpu.memref_slice %arg2[%dma_start3A_67, %dma_start3A_68] : memref<10000x128xf32, #tpu.memory_space<hbm>> -> memref<10000x128xf32, #tpu.memory_space<hbm>>
      tpu.enqueue_indirect_dma source(%dma_start3A_69 : memref<10000x128xf32, #tpu.memory_space<hbm>>) target(%arg12 : memref<128x128xf32, #tpu.memory_space<vmem>>) offsets(%dma_start3A_66 : memref<128xi32, #tpu.memory_space<vmem>>) semaphore(%arg19 : memref<!tpu.dma_semaphore, #tpu.memory_space<semaphore_mem>>)
      %mul3A_70 = arith.constant 128 : i32
      %mul3A_71 = arith.muli %add3A_63, %mul3A_70 : i32
      %add3A_72 = arith.addi %mul3A_4, %mul3A_71 : i32
      %dma_start3A_73 = tpu.memref_slice %arg5[%add3A_72] : memref<320000xi32, #tpu.memory_space<hbm>> -> memref<128xi32, #tpu.memory_space<hbm>>
      %dma_start3A_74 = tpu.memref_slice %arg5[%add3A_72] : memref<320000xi32, #tpu.memory_space<hbm>> -> memref<128xi32, #tpu.memory_space<hbm>>
      tpu.enqueue_dma source(%dma_start3A_74 : memref<128xi32, #tpu.memory_space<hbm>>) target(%arg10 : memref<128xi32, #tpu.memory_space<vmem>>) target_semaphore(%arg17 : memref<!tpu.dma_semaphore, #tpu.memory_space<semaphore_mem>>)
      %mul3A_75 = arith.constant 128 : i32
      %mul3A_76 = arith.muli %mul3A_61, %mul3A_75 : i32
      %dma_wait3A_77 = tpu.memref_slice %arg8[%mul3A_76] : memref<9984xi32, #tpu.memory_space<vmem>> -> memref<128xi32, #tpu.memory_space<vmem>>
      %dma_wait3A_78 = arith.constant 0 : i32
      %dma_wait3A_79 = arith.constant 0 : i32
      %dma_wait3A_80 = tpu.memref_slice %arg2[%dma_wait3A_78, %dma_wait3A_79] : memref<10000x128xf32, #tpu.memory_space<hbm>> -> memref<10000x128xf32, #tpu.memory_space<hbm>>
      tpu.wait_indirect_dma semaphore(%arg18 : memref<!tpu.dma_semaphore, #tpu.memory_space<semaphore_mem>>) src(%dma_wait3A_80 : memref<10000x128xf32, #tpu.memory_space<hbm>>) dst(%arg11 : memref<128x128xf32, #tpu.memory_space<vmem>>)
      %mul3A_81 = arith.constant 128 : i32
      %mul3A_82 = arith.muli %mul3A_61, %mul3A_81 : i32
      %add3A_83 = arith.addi %mul3A_4, %mul3A_82 : i32
      %dma_wait3A_84 = tpu.memref_slice %arg5[%add3A_83] : memref<320000xi32, #tpu.memory_space<hbm>> -> memref<128xi32, #tpu.memory_space<hbm>>
      %dma_wait3A_85 = tpu.memref_slice %arg5[%add3A_83] : memref<320000xi32, #tpu.memory_space<hbm>> -> memref<128xi32, #tpu.memory_space<hbm>>
      tpu.wait_dma2 semaphore(%arg16 : memref<!tpu.dma_semaphore, #tpu.memory_space<semaphore_mem>>) src(%dma_wait3A_85 : memref<128xi32, #tpu.memory_space<hbm>>) dst(%arg9 : memref<128xi32, #tpu.memory_space<vmem>>)
      "tpu.region"() ({
        %run_scoped3A = tpu.sem_alloc : memref<!tpu.dma_semaphore, #tpu.memory_space<semaphore_mem>>
        %dma_start3A_101 = arith.constant 0 : i32
        %dma_start3A_102 = arith.constant 0 : i32
        %dma_start3A_103 = tpu.memref_slice %arg7[%dma_start3A_101, %dma_start3A_102] : memref<10000x128xf32, #tpu.memory_space<vmem_shared>> -> memref<10000x128xf32, #tpu.memory_space<vmem_shared>>
        tpu.enqueue_indirect_dma source(%arg11 : memref<128x128xf32, #tpu.memory_space<vmem>>) target(%dma_start3A_103 : memref<10000x128xf32, #tpu.memory_space<vmem_shared>>) offsets(%arg9 : memref<128xi32, #tpu.memory_space<vmem>>) semaphore(%run_scoped3A : memref<!tpu.dma_semaphore, #tpu.memory_space<semaphore_mem>>) {add = true}
        %dma_wait3A_104 = arith.constant 0 : i32
        %dma_wait3A_105 = arith.constant 0 : i32
        %dma_wait3A_106 = tpu.memref_slice %arg7[%dma_wait3A_104, %dma_wait3A_105] : memref<10000x128xf32, #tpu.memory_space<vmem_shared>> -> memref<10000x128xf32, #tpu.memory_space<vmem_shared>>
        tpu.wait_indirect_dma semaphore(%run_scoped3A : memref<!tpu.dma_semaphore, #tpu.memory_space<semaphore_mem>>) src(%arg11 : memref<128x128xf32, #tpu.memory_space<vmem>>) dst(%dma_wait3A_106 : memref<10000x128xf32, #tpu.memory_space<vmem_shared>>)
        tpu.yield
      }) : () -> ()
      %lt3A = arith.constant 38 : i32
      %lt3A_86 = arith.cmpi slt, %add3A_59, %lt3A : i32
      %convert_element_type3A_87 = arith.extui %lt3A_86 : i1 to i32
      %cond3A_88 = arith.constant 0 : i32
      %cond3A_89 = arith.cmpi ne, %convert_element_type3A_87, %cond3A_88 : i32
      scf.if %cond3A_89 {
        %add3A_101 = arith.constant 2 : i32
        %add3A_102 = arith.addi %mul3A_61, %add3A_101 : i32
        %mul3A_103 = arith.constant 128 : i32
        %mul3A_104 = arith.muli %add3A_102, %mul3A_103 : i32
        %dma_start3A_105 = tpu.memref_slice %arg8[%mul3A_104] : memref<9984xi32, #tpu.memory_space<vmem>> -> memref<128xi32, #tpu.memory_space<vmem>>
        %dma_start3A_106 = arith.constant 0 : i32
        %dma_start3A_107 = arith.constant 0 : i32
        %dma_start3A_108 = tpu.memref_slice %arg2[%dma_start3A_106, %dma_start3A_107] : memref<10000x128xf32, #tpu.memory_space<hbm>> -> memref<10000x128xf32, #tpu.memory_space<hbm>>
        tpu.enqueue_indirect_dma source(%dma_start3A_108 : memref<10000x128xf32, #tpu.memory_space<hbm>>) target(%arg11 : memref<128x128xf32, #tpu.memory_space<vmem>>) offsets(%dma_start3A_105 : memref<128xi32, #tpu.memory_space<vmem>>) semaphore(%arg18 : memref<!tpu.dma_semaphore, #tpu.memory_space<semaphore_mem>>)
        %add3A_109 = arith.constant 2 : i32
        %add3A_110 = arith.addi %mul3A_61, %add3A_109 : i32
        %mul3A_111 = arith.constant 128 : i32
        %mul3A_112 = arith.muli %add3A_110, %mul3A_111 : i32
        %add3A_113 = arith.addi %mul3A_4, %mul3A_112 : i32
        %dma_start3A_114 = tpu.memref_slice %arg5[%add3A_113] : memref<320000xi32, #tpu.memory_space<hbm>> -> memref<128xi32, #tpu.memory_space<hbm>>
        %dma_start3A_115 = tpu.memref_slice %arg5[%add3A_113] : memref<320000xi32, #tpu.memory_space<hbm>> -> memref<128xi32, #tpu.memory_space<hbm>>
        tpu.enqueue_dma source(%dma_start3A_115 : memref<128xi32, #tpu.memory_space<hbm>>) target(%arg9 : memref<128xi32, #tpu.memory_space<vmem>>) target_semaphore(%arg16 : memref<!tpu.dma_semaphore, #tpu.memory_space<semaphore_mem>>)
      } else {
      }
      %mul3A_90 = arith.constant 128 : i32
      %mul3A_91 = arith.muli %add3A_63, %mul3A_90 : i32
      %dma_wait3A_92 = tpu.memref_slice %arg8[%mul3A_91] : memref<9984xi32, #tpu.memory_space<vmem>> -> memref<128xi32, #tpu.memory_space<vmem>>
      %dma_wait3A_93 = arith.constant 0 : i32
      %dma_wait3A_94 = arith.constant 0 : i32
      %dma_wait3A_95 = tpu.memref_slice %arg2[%dma_wait3A_93, %dma_wait3A_94] : memref<10000x128xf32, #tpu.memory_space<hbm>> -> memref<10000x128xf32, #tpu.memory_space<hbm>>
      tpu.wait_indirect_dma semaphore(%arg19 : memref<!tpu.dma_semaphore, #tpu.memory_space<semaphore_mem>>) src(%dma_wait3A_95 : memref<10000x128xf32, #tpu.memory_space<hbm>>) dst(%arg12 : memref<128x128xf32, #tpu.memory_space<vmem>>)
      %mul3A_96 = arith.constant 128 : i32
      %mul3A_97 = arith.muli %add3A_63, %mul3A_96 : i32
      %add3A_98 = arith.addi %mul3A_4, %mul3A_97 : i32
      %dma_wait3A_99 = tpu.memref_slice %arg5[%add3A_98] : memref<320000xi32, #tpu.memory_space<hbm>> -> memref<128xi32, #tpu.memory_space<hbm>>
      %dma_wait3A_100 = tpu.memref_slice %arg5[%add3A_98] : memref<320000xi32, #tpu.memory_space<hbm>> -> memref<128xi32, #tpu.memory_space<hbm>>
      tpu.wait_dma2 semaphore(%arg17 : memref<!tpu.dma_semaphore, #tpu.memory_space<semaphore_mem>>) src(%dma_wait3A_100 : memref<128xi32, #tpu.memory_space<hbm>>) dst(%arg10 : memref<128xi32, #tpu.memory_space<vmem>>)
      "tpu.region"() ({
        %run_scoped3A = tpu.sem_alloc : memref<!tpu.dma_semaphore, #tpu.memory_space<semaphore_mem>>
        %dma_start3A_101 = arith.constant 0 : i32
        %dma_start3A_102 = arith.constant 0 : i32
        %dma_start3A_103 = tpu.memref_slice %arg7[%dma_start3A_101, %dma_start3A_102] : memref<10000x128xf32, #tpu.memory_space<vmem_shared>> -> memref<10000x128xf32, #tpu.memory_space<vmem_shared>>
        tpu.enqueue_indirect_dma source(%arg12 : memref<128x128xf32, #tpu.memory_space<vmem>>) target(%dma_start3A_103 : memref<10000x128xf32, #tpu.memory_space<vmem_shared>>) offsets(%arg10 : memref<128xi32, #tpu.memory_space<vmem>>) semaphore(%run_scoped3A : memref<!tpu.dma_semaphore, #tpu.memory_space<semaphore_mem>>) {add = true}
        %dma_wait3A_104 = arith.constant 0 : i32
        %dma_wait3A_105 = arith.constant 0 : i32
        %dma_wait3A_106 = tpu.memref_slice %arg7[%dma_wait3A_104, %dma_wait3A_105] : memref<10000x128xf32, #tpu.memory_space<vmem_shared>> -> memref<10000x128xf32, #tpu.memory_space<vmem_shared>>
        tpu.wait_indirect_dma semaphore(%run_scoped3A : memref<!tpu.dma_semaphore, #tpu.memory_space<semaphore_mem>>) src(%arg12 : memref<128x128xf32, #tpu.memory_space<vmem>>) dst(%dma_wait3A_106 : memref<10000x128xf32, #tpu.memory_space<vmem_shared>>)
        tpu.yield
      }) : () -> ()
    }
    %scan3A_40 = arith.constant 39 : i32
    %add3A_41 = arith.constant 9984 : i32
    %add3A_42 = arith.addi %mul3A_4, %add3A_41 : i32
    "tpu.region"() ({
      %run_scoped3A = tpu.sem_alloc : memref<!tpu.dma_semaphore, #tpu.memory_space<semaphore_mem>>
      %dma_start3A_55 = tpu.memref_slice %arg4[%add3A_42] : memref<320000xi32, #tpu.memory_space<hbm>> -> memref<16xi32, #tpu.memory_space<hbm>>
      %dma_start3A_56 = tpu.memref_slice %arg4[%add3A_42] : memref<320000xi32, #tpu.memory_space<hbm>> -> memref<16xi32, #tpu.memory_space<hbm>>
      tpu.enqueue_dma source(%dma_start3A_56 : memref<16xi32, #tpu.memory_space<hbm>>) target(%arg13 : memref<16xi32, #tpu.memory_space<vmem>>) target_semaphore(%run_scoped3A : memref<!tpu.dma_semaphore, #tpu.memory_space<semaphore_mem>>)
      %dma_wait3A_57 = tpu.memref_slice %arg4[%add3A_42] : memref<320000xi32, #tpu.memory_space<hbm>> -> memref<16xi32, #tpu.memory_space<hbm>>
      %dma_wait3A_58 = tpu.memref_slice %arg4[%add3A_42] : memref<320000xi32, #tpu.memory_space<hbm>> -> memref<16xi32, #tpu.memory_space<hbm>>
      tpu.wait_dma2 semaphore(%run_scoped3A : memref<!tpu.dma_semaphore, #tpu.memory_space<semaphore_mem>>) src(%dma_wait3A_58 : memref<16xi32, #tpu.memory_space<hbm>>) dst(%arg13 : memref<16xi32, #tpu.memory_space<vmem>>)
      tpu.yield
    }) : () -> ()
    "tpu.region"() ({
      %run_scoped3A = tpu.sem_alloc : memref<!tpu.dma_semaphore, #tpu.memory_space<semaphore_mem>>
      %dma_start3A_55 = tpu.memref_slice %arg5[%add3A_42] : memref<320000xi32, #tpu.memory_space<hbm>> -> memref<16xi32, #tpu.memory_space<hbm>>
      %dma_start3A_56 = tpu.memref_slice %arg5[%add3A_42] : memref<320000xi32, #tpu.memory_space<hbm>> -> memref<16xi32, #tpu.memory_space<hbm>>
      tpu.enqueue_dma source(%dma_start3A_56 : memref<16xi32, #tpu.memory_space<hbm>>) target(%arg14 : memref<16xi32, #tpu.memory_space<vmem>>) target_semaphore(%run_scoped3A : memref<!tpu.dma_semaphore, #tpu.memory_space<semaphore_mem>>)
      %dma_wait3A_57 = tpu.memref_slice %arg5[%add3A_42] : memref<320000xi32, #tpu.memory_space<hbm>> -> memref<16xi32, #tpu.memory_space<hbm>>
      %dma_wait3A_58 = tpu.memref_slice %arg5[%add3A_42] : memref<320000xi32, #tpu.memory_space<hbm>> -> memref<16xi32, #tpu.memory_space<hbm>>
      tpu.wait_dma2 semaphore(%run_scoped3A : memref<!tpu.dma_semaphore, #tpu.memory_space<semaphore_mem>>) src(%dma_wait3A_58 : memref<16xi32, #tpu.memory_space<hbm>>) dst(%arg14 : memref<16xi32, #tpu.memory_space<vmem>>)
      tpu.yield
    }) : () -> ()
    %dma_start3A_43 = arith.constant 0 : i32
    %dma_start3A_44 = arith.constant 0 : i32
    %dma_start3A_45 = tpu.memref_slice %arg2[%dma_start3A_43, %dma_start3A_44] : memref<10000x128xf32, #tpu.memory_space<hbm>> -> memref<10000x128xf32, #tpu.memory_space<hbm>>
    tpu.enqueue_indirect_dma source(%dma_start3A_45 : memref<10000x128xf32, #tpu.memory_space<hbm>>) target(%arg15 : memref<16x128xf32, #tpu.memory_space<vmem>>) offsets(%arg13 : memref<16xi32, #tpu.memory_space<vmem>>) semaphore(%arg18 : memref<!tpu.dma_semaphore, #tpu.memory_space<semaphore_mem>>)
    %dma_wait3A_46 = arith.constant 0 : i32
    %dma_wait3A_47 = arith.constant 0 : i32
    %dma_wait3A_48 = tpu.memref_slice %arg2[%dma_wait3A_46, %dma_wait3A_47] : memref<10000x128xf32, #tpu.memory_space<hbm>> -> memref<10000x128xf32, #tpu.memory_space<hbm>>
    tpu.wait_indirect_dma semaphore(%arg18 : memref<!tpu.dma_semaphore, #tpu.memory_space<semaphore_mem>>) src(%dma_wait3A_48 : memref<10000x128xf32, #tpu.memory_space<hbm>>) dst(%arg15 : memref<16x128xf32, #tpu.memory_space<vmem>>)
    "tpu.region"() ({
      %run_scoped3A = tpu.sem_alloc : memref<!tpu.dma_semaphore, #tpu.memory_space<semaphore_mem>>
      %dma_start3A_55 = arith.constant 0 : i32
      %dma_start3A_56 = arith.constant 0 : i32
      %dma_start3A_57 = tpu.memref_slice %arg7[%dma_start3A_55, %dma_start3A_56] : memref<10000x128xf32, #tpu.memory_space<vmem_shared>> -> memref<10000x128xf32, #tpu.memory_space<vmem_shared>>
      tpu.enqueue_indirect_dma source(%arg15 : memref<16x128xf32, #tpu.memory_space<vmem>>) target(%dma_start3A_57 : memref<10000x128xf32, #tpu.memory_space<vmem_shared>>) offsets(%arg14 : memref<16xi32, #tpu.memory_space<vmem>>) semaphore(%run_scoped3A : memref<!tpu.dma_semaphore, #tpu.memory_space<semaphore_mem>>) {add = true}
      %dma_wait3A_58 = arith.constant 0 : i32
      %dma_wait3A_59 = arith.constant 0 : i32
      %dma_wait3A_60 = tpu.memref_slice %arg7[%dma_wait3A_58, %dma_wait3A_59] : memref<10000x128xf32, #tpu.memory_space<vmem_shared>> -> memref<10000x128xf32, #tpu.memory_space<vmem_shared>>
      tpu.wait_indirect_dma semaphore(%run_scoped3A : memref<!tpu.dma_semaphore, #tpu.memory_space<semaphore_mem>>) src(%arg15 : memref<16x128xf32, #tpu.memory_space<vmem>>) dst(%dma_wait3A_60 : memref<10000x128xf32, #tpu.memory_space<vmem_shared>>)
      tpu.yield
    }) : () -> ()
    %barrier3A_49 = arith.constant 0 : index
    tpu.barrier barrier_id(%barrier3A_49)
    "tpu.region"() ({
      %run_scoped3A = tpu.sem_alloc : memref<!tpu.dma_semaphore, #tpu.memory_space<semaphore_mem>>
      %dma_start3A_55 = arith.constant 0 : i32
      %dma_start3A_56 = tpu.memref_slice %arg6[%arg0, %mul3A_2, %dma_start3A_55] : memref<2x10000x128xf32, #tpu.memory_space<hbm>> -> memref<1x624x128xf32, #tpu.memory_space<hbm>>
      %dma_start3A_57 = tpu.memref_squeeze %dma_start3A_56 : memref<1x624x128xf32, #tpu.memory_space<hbm>> -> memref<624x128xf32, #tpu.memory_space<hbm>>
      %dma_start3A_58 = arith.constant 0 : i32
      %dma_start3A_59 = tpu.memref_slice %arg7[%mul3A_2, %dma_start3A_58] : memref<10000x128xf32, #tpu.memory_space<vmem_shared>> -> memref<624x128xf32, #tpu.memory_space<vmem_shared>>
      tpu.enqueue_dma source(%dma_start3A_59 : memref<624x128xf32, #tpu.memory_space<vmem_shared>>) target(%dma_start3A_57 : memref<624x128xf32, #tpu.memory_space<hbm>>) target_semaphore(%run_scoped3A : memref<!tpu.dma_semaphore, #tpu.memory_space<semaphore_mem>>)
      %dma_wait3A_60 = arith.constant 0 : i32
      %dma_wait3A_61 = tpu.memref_slice %arg6[%arg0, %mul3A_2, %dma_wait3A_60] : memref<2x10000x128xf32, #tpu.memory_space<hbm>> -> memref<1x624x128xf32, #tpu.memory_space<hbm>>
      %dma_wait3A_62 = tpu.memref_squeeze %dma_wait3A_61 : memref<1x624x128xf32, #tpu.memory_space<hbm>> -> memref<624x128xf32, #tpu.memory_space<hbm>>
      %dma_wait3A_63 = arith.constant 0 : i32
      %dma_wait3A_64 = tpu.memref_slice %arg7[%mul3A_2, %dma_wait3A_63] : memref<10000x128xf32, #tpu.memory_space<vmem_shared>> -> memref<624x128xf32, #tpu.memory_space<vmem_shared>>
      tpu.wait_dma2 semaphore(%run_scoped3A : memref<!tpu.dma_semaphore, #tpu.memory_space<semaphore_mem>>) src(%dma_wait3A_64 : memref<624x128xf32, #tpu.memory_space<vmem_shared>>) dst(%dma_wait3A_62 : memref<624x128xf32, #tpu.memory_space<hbm>>)
      tpu.yield
    }) : () -> ()
    %eq3A_50 = arith.constant 15 : i32
    %eq3A_51 = arith.cmpi eq, %arg1, %eq3A_50 : i32
    %convert_element_type3A_52 = arith.extui %eq3A_51 : i1 to i32
    %cond3A_53 = arith.constant 0 : i32
    %cond3A_54 = arith.cmpi ne, %convert_element_type3A_52, %cond3A_53 : i32
    scf.if %cond3A_54 {
      "tpu.region"() ({
        %run_scoped3A = tpu.sem_alloc : memref<!tpu.dma_semaphore, #tpu.memory_space<semaphore_mem>>
        %dma_start3A_55 = arith.constant 9984 : i32
        %dma_start3A_56 = arith.constant 0 : i32
        %dma_start3A_57 = tpu.memref_slice %arg6[%arg0, %dma_start3A_55, %dma_start3A_56] : memref<2x10000x128xf32, #tpu.memory_space<hbm>> -> memref<1x16x128xf32, #tpu.memory_space<hbm>>
        %dma_start3A_58 = tpu.memref_squeeze %dma_start3A_57 : memref<1x16x128xf32, #tpu.memory_space<hbm>> -> memref<16x128xf32, #tpu.memory_space<hbm>>
        %dma_start3A_59 = arith.constant 9984 : i32
        %dma_start3A_60 = arith.constant 0 : i32
        %dma_start3A_61 = tpu.memref_slice %arg7[%dma_start3A_59, %dma_start3A_60] : memref<10000x128xf32, #tpu.memory_space<vmem_shared>> -> memref<16x128xf32, #tpu.memory_space<vmem_shared>>
        tpu.enqueue_dma source(%dma_start3A_61 : memref<16x128xf32, #tpu.memory_space<vmem_shared>>) target(%dma_start3A_58 : memref<16x128xf32, #tpu.memory_space<hbm>>) target_semaphore(%run_scoped3A : memref<!tpu.dma_semaphore, #tpu.memory_space<semaphore_mem>>)
        %dma_wait3A_62 = arith.constant 9984 : i32
        %dma_wait3A_63 = arith.constant 0 : i32
        %dma_wait3A_64 = tpu.memref_slice %arg6[%arg0, %dma_wait3A_62, %dma_wait3A_63] : memref<2x10000x128xf32, #tpu.memory_space<hbm>> -> memref<1x16x128xf32, #tpu.memory_space<hbm>>
        %dma_wait3A_65 = tpu.memref_squeeze %dma_wait3A_64 : memref<1x16x128xf32, #tpu.memory_space<hbm>> -> memref<16x128xf32, #tpu.memory_space<hbm>>
        %dma_wait3A_66 = arith.constant 9984 : i32
        %dma_wait3A_67 = arith.constant 0 : i32
        %dma_wait3A_68 = tpu.memref_slice %arg7[%dma_wait3A_66, %dma_wait3A_67] : memref<10000x128xf32, #tpu.memory_space<vmem_shared>> -> memref<16x128xf32, #tpu.memory_space<vmem_shared>>
        tpu.wait_dma2 semaphore(%run_scoped3A : memref<!tpu.dma_semaphore, #tpu.memory_space<semaphore_mem>>) src(%dma_wait3A_68 : memref<16x128xf32, #tpu.memory_space<vmem_shared>>) dst(%dma_wait3A_65 : memref<16x128xf32, #tpu.memory_space<hbm>>)
        tpu.yield
      }) : () -> ()
    } else {
    }
    return
  }
}

module attributes {stable_mosaic.version = 14 : i64} {
  func.func @body(%arg0: i32, %arg1: memref<1000x128xf32, #tpu.memory_space<vmem>>, %arg2: memref<1000x128xf32, #tpu.memory_space<vmem>>, %arg3: memref<128x128xf32, #tpu.memory_space<vmem>>, %arg4: memref<1x128xf32, #tpu.memory_space<vmem>>, %arg5: memref<128x128xf32, #tpu.memory_space<vmem>>, %arg6: memref<1x128xf32, #tpu.memory_space<vmem>>, %arg7: memref<1000x128xf32, #tpu.memory_space<vmem>>) attributes {dimension_semantics = [#tpu.dimension_semantics<arbitrary>], iteration_bounds = array<i64: 10>, scalar_prefetch = 0 : i64, scratch_operands = 0 : i64, tpu.core_type = #tpu.core_type<tc>, window_params = [{transform_indices = @transform_0, window_bounds = array<i64: 1000, 128>}, {transform_indices = @transform_1, window_bounds = array<i64: 1000, 128>}, {pipeline_mode = #tpu.pipeline_mode<synchronous>, transform_indices = @transform_2, window_bounds = array<i64: 128, 128>}, {pipeline_mode = #tpu.pipeline_mode<synchronous>, transform_indices = @transform_3, window_bounds = array<i64: 1, 128>}, {pipeline_mode = #tpu.pipeline_mode<synchronous>, transform_indices = @transform_4, window_bounds = array<i64: 128, 128>}, {pipeline_mode = #tpu.pipeline_mode<synchronous>, transform_indices = @transform_5, window_bounds = array<i64: 1, 128>}, {transform_indices = @transform_6, window_bounds = array<i64: 1000, 128>}]} {
    %get3A = arith.constant 0 : index
    %get3A_0 = arith.constant 0 : index
    %get3A_1 = vector.load %arg1[%get3A, %get3A_0] : memref<1000x128xf32, #tpu.memory_space<vmem>>, vector<1000x128xf32>
    %get3A_2 = arith.constant 0 : index
    %get3A_3 = arith.constant 0 : index
    %get3A_4 = vector.load %arg2[%get3A_2, %get3A_3] : memref<1000x128xf32, #tpu.memory_space<vmem>>, vector<1000x128xf32>
    %add3A = arith.addf %get3A_1, %get3A_4 : vector<1000x128xf32>
    %get3A_5 = arith.constant 0 : index
    %get3A_6 = arith.constant 0 : index
    %get3A_7 = vector.load %arg3[%get3A_5, %get3A_6] : memref<128x128xf32, #tpu.memory_space<vmem>>, vector<128x128xf32>
    %dot_general3A = arith.constant dense<0.000000e+00> : vector<1000x128xf32>
    %dot_general3A_8 = tpu.matmul %add3A, %get3A_7, %dot_general3A {dimension_numbers = #tpu.dot_dimension_numbers<[1], [0], [0], [1], [0, 0, 1, 1], [], []>, transpose_lhs_hint = false} : vector<1000x128xf32>, vector<128x128xf32>, vector<1000x128xf32> -> vector<1000x128xf32>
    %get3A_9 = arith.constant 0 : index
    %get3A_10 = arith.constant 0 : index
    %get3A_11 = vector.load %arg4[%get3A_9, %get3A_10] : memref<1x128xf32, #tpu.memory_space<vmem>>, vector<1x128xf32>
    %add3A_12 = vector.broadcast %get3A_11 : vector<1x128xf32> to vector<1000x128xf32>
    %add3A_13 = arith.addf %dot_general3A_8, %add3A_12 : vector<1000x128xf32>
    %max3A = arith.constant 0.000000e+00 : f32
    %max3A_14 = vector.broadcast %max3A : f32 to vector<1000x128xf32>
    %max3A_15 = arith.maximumf %add3A_13, %max3A_14 : vector<1000x128xf32>
    %get3A_16 = arith.constant 0 : index
    %get3A_17 = arith.constant 0 : index
    %get3A_18 = vector.load %arg5[%get3A_16, %get3A_17] : memref<128x128xf32, #tpu.memory_space<vmem>>, vector<128x128xf32>
    %dot_general3A_19 = arith.constant dense<0.000000e+00> : vector<1000x128xf32>
    %dot_general3A_20 = tpu.matmul %max3A_15, %get3A_18, %dot_general3A_19 {dimension_numbers = #tpu.dot_dimension_numbers<[1], [0], [0], [1], [0, 0, 1, 1], [], []>, transpose_lhs_hint = false} : vector<1000x128xf32>, vector<128x128xf32>, vector<1000x128xf32> -> vector<1000x128xf32>
    %get3A_21 = arith.constant 0 : index
    %get3A_22 = arith.constant 0 : index
    %get3A_23 = vector.load %arg6[%get3A_21, %get3A_22] : memref<1x128xf32, #tpu.memory_space<vmem>>, vector<1x128xf32>
    %add3A_24 = vector.broadcast %get3A_23 : vector<1x128xf32> to vector<1000x128xf32>
    %add3A_25 = arith.addf %dot_general3A_20, %add3A_24 : vector<1000x128xf32>
    %swap3A = arith.constant 0 : index
    %swap3A_26 = arith.constant 0 : index
    %swap3A_27 = vector.load %arg7[%swap3A, %swap3A_26] : memref<1000x128xf32, #tpu.memory_space<vmem>>, vector<1000x128xf32>
    tpu.vector_store %arg7[%swap3A, %swap3A_26], %add3A_25 {strides = array<i32>} : memref<1000x128xf32, #tpu.memory_space<vmem>>, vector<1000x128xf32>,
    return
  }
  func.func @transform_0(%arg0: i32) -> (i32, i32) {
    %c0_i32 = arith.constant 0 : i32
    %c0_i32_0 = arith.constant 0 : i32
    return %arg0, %c0_i32 : i32, i32
  }
  func.func @transform_1(%arg0: i32) -> (i32, i32) {
    %c0_i32 = arith.constant 0 : i32
    %c0_i32_0 = arith.constant 0 : i32
    return %arg0, %c0_i32 : i32, i32
  }
  func.func @transform_2(%arg0: i32) -> (i32, i32) {
    %c0_i32 = arith.constant 0 : i32
    %c0_i32_0 = arith.constant 0 : i32
    %c0_i32_1 = arith.constant 0 : i32
    return %c0_i32, %c0_i32_0 : i32, i32
  }
  func.func @transform_3(%arg0: i32) -> (i32, i32) {
    %c0_i32 = arith.constant 0 : i32
    %c0_i32_0 = arith.constant 0 : i32
    %c0_i32_1 = arith.constant 0 : i32
    return %c0_i32, %c0_i32_0 : i32, i32
  }
  func.func @transform_4(%arg0: i32) -> (i32, i32) {
    %c0_i32 = arith.constant 0 : i32
    %c0_i32_0 = arith.constant 0 : i32
    %c0_i32_1 = arith.constant 0 : i32
    return %c0_i32, %c0_i32_0 : i32, i32
  }
  func.func @transform_5(%arg0: i32) -> (i32, i32) {
    %c0_i32 = arith.constant 0 : i32
    %c0_i32_0 = arith.constant 0 : i32
    %c0_i32_1 = arith.constant 0 : i32
    return %c0_i32, %c0_i32_0 : i32, i32
  }
  func.func @transform_6(%arg0: i32) -> (i32, i32) {
    %c0_i32 = arith.constant 0 : i32
    %c0_i32_0 = arith.constant 0 : i32
    return %arg0, %c0_i32 : i32, i32
  }
}

module attributes {stable_mosaic.version = 14 : i64} {
  func.func @body(%arg0: memref<1024x128xf32, #tpu.memory_space<vmem>>, %arg1: memref<128x128xf32, #tpu.memory_space<vmem>>, %arg2: memref<1x128xf32, #tpu.memory_space<vmem>>, %arg3: memref<128x128xf32, #tpu.memory_space<vmem>>, %arg4: memref<1x128xf32, #tpu.memory_space<vmem>>, %arg5: memref<128x128xf32, #tpu.memory_space<vmem>>, %arg6: memref<128x128xf32, #tpu.memory_space<vmem>>, %arg7: memref<128x128xf32, #tpu.memory_space<vmem>>, %arg8: memref<128x128xf32, #tpu.memory_space<vmem>>, %arg9: memref<1x128xf32, #tpu.memory_space<vmem>>, %arg10: memref<1x128xf32, #tpu.memory_space<vmem>>, %arg11: memref<1x1xf32, #tpu.memory_space<vmem>>, %arg12: memref<1x128xf32, #tpu.memory_space<vmem>>) attributes {dimension_semantics = [], scalar_prefetch = 0 : i64, scratch_operands = 0 : i64, tpu.core_type = #tpu.core_type<tc>} {
    %get3A = arith.constant 0 : index
    %get3A_0 = arith.constant 0 : index
    %get3A_1 = vector.load %arg0[%get3A, %get3A_0] : memref<1024x128xf32, #tpu.memory_space<vmem>>, vector<512x128xf32>
    %get3A_2 = arith.constant 512 : index
    %get3A_3 = arith.constant 0 : index
    %get3A_4 = vector.load %arg0[%get3A_2, %get3A_3] : memref<1024x128xf32, #tpu.memory_space<vmem>>, vector<512x128xf32>
    %add3A = arith.addf %get3A_1, %get3A_4 : vector<512x128xf32>
    %get3A_5 = arith.constant 0 : index
    %get3A_6 = arith.constant 0 : index
    %get3A_7 = vector.load %arg1[%get3A_5, %get3A_6] : memref<128x128xf32, #tpu.memory_space<vmem>>, vector<128x128xf32>
    %dot_general3A = arith.constant dense<0.000000e+00> : vector<512x128xf32>
    %dot_general3A_8 = tpu.matmul %add3A, %get3A_7, %dot_general3A {dimension_numbers = #tpu.dot_dimension_numbers<[1], [0], [0], [1], [0, 0, 1, 1], [], []>, transpose_lhs_hint = false} : vector<512x128xf32>, vector<128x128xf32>, vector<512x128xf32> -> vector<512x128xf32>
    %get3A_9 = arith.constant 0 : index
    %get3A_10 = arith.constant 0 : index
    %get3A_11 = vector.load %arg2[%get3A_9, %get3A_10] : memref<1x128xf32, #tpu.memory_space<vmem>>, vector<1x128xf32>
    %add3A_12 = vector.broadcast %get3A_11 : vector<1x128xf32> to vector<512x128xf32>
    %add3A_13 = arith.addf %dot_general3A_8, %add3A_12 : vector<512x128xf32>
    %max3A = arith.constant 0.000000e+00 : f32
    %max3A_14 = vector.broadcast %max3A : f32 to vector<512x128xf32>
    %max3A_15 = arith.maximumf %add3A_13, %max3A_14 : vector<512x128xf32>
    %get3A_16 = arith.constant 0 : index
    %get3A_17 = arith.constant 0 : index
    %get3A_18 = vector.load %arg3[%get3A_16, %get3A_17] : memref<128x128xf32, #tpu.memory_space<vmem>>, vector<128x128xf32>
    %dot_general3A_19 = arith.constant dense<0.000000e+00> : vector<512x128xf32>
    %dot_general3A_20 = tpu.matmul %max3A_15, %get3A_18, %dot_general3A_19 {dimension_numbers = #tpu.dot_dimension_numbers<[1], [0], [0], [1], [0, 0, 1, 1], [], []>, transpose_lhs_hint = false} : vector<512x128xf32>, vector<128x128xf32>, vector<512x128xf32> -> vector<512x128xf32>
    %get3A_21 = arith.constant 0 : index
    %get3A_22 = arith.constant 0 : index
    %get3A_23 = vector.load %arg4[%get3A_21, %get3A_22] : memref<1x128xf32, #tpu.memory_space<vmem>>, vector<1x128xf32>
    %add3A_24 = vector.broadcast %get3A_23 : vector<1x128xf32> to vector<512x128xf32>
    %add3A_25 = arith.addf %dot_general3A_20, %add3A_24 : vector<512x128xf32>
    %slice3A = vector.extract_strided_slice %add3A_25 {offsets = [0, 0], sizes = [1, 128], strides = [1, 1]} : vector<512x128xf32> to vector<1x128xf32>
    %slice3A_26 = vector.extract_strided_slice %add3A_25 {offsets = [1, 0], sizes = [1, 128], strides = [1, 1]} : vector<512x128xf32> to vector<1x128xf32>
    %slice3A_27 = vector.extract_strided_slice %add3A_25 {offsets = [8, 0], sizes = [128, 128], strides = [1, 1]} : vector<512x128xf32> to vector<128x128xf32>
    %slice3A_28 = vector.extract_strided_slice %add3A_25 {offsets = [144, 0], sizes = [128, 128], strides = [1, 1]} : vector<512x128xf32> to vector<128x128xf32>
    %add3A_29 = arith.addf %slice3A, %slice3A_26 : vector<1x128xf32>
    %get3A_30 = arith.constant 0 : index
    %get3A_31 = arith.constant 0 : index
    %get3A_32 = vector.load %arg5[%get3A_30, %get3A_31] : memref<128x128xf32, #tpu.memory_space<vmem>>, vector<128x128xf32>
    %dot_general3A_33 = arith.constant dense<0.000000e+00> : vector<1x128xf32>
    %dot_general3A_34 = tpu.matmul %add3A_29, %get3A_32, %dot_general3A_33 {dimension_numbers = #tpu.dot_dimension_numbers<[1], [0], [0], [1], [0, 0, 1, 1], [], []>, transpose_lhs_hint = false} : vector<1x128xf32>, vector<128x128xf32>, vector<1x128xf32> -> vector<1x128xf32>
    %sub3A = arith.subf %slice3A, %slice3A_26 : vector<1x128xf32>
    %abs3A = math.absf %sub3A : vector<1x128xf32>
    %get3A_35 = arith.constant 0 : index
    %get3A_36 = arith.constant 0 : index
    %get3A_37 = vector.load %arg6[%get3A_35, %get3A_36] : memref<128x128xf32, #tpu.memory_space<vmem>>, vector<128x128xf32>
    %dot_general3A_38 = arith.constant dense<0.000000e+00> : vector<1x128xf32>
    %dot_general3A_39 = tpu.matmul %abs3A, %get3A_37, %dot_general3A_38 {dimension_numbers = #tpu.dot_dimension_numbers<[1], [0], [0], [1], [0, 0, 1, 1], [], []>, transpose_lhs_hint = false} : vector<1x128xf32>, vector<128x128xf32>, vector<1x128xf32> -> vector<1x128xf32>
    %add3A_40 = arith.addf %dot_general3A_34, %dot_general3A_39 : vector<1x128xf32>
    %add3A_41 = arith.addf %slice3A_27, %slice3A_28 : vector<128x128xf32>
    %get3A_42 = arith.constant 0 : index
    %get3A_43 = arith.constant 0 : index
    %get3A_44 = vector.load %arg7[%get3A_42, %get3A_43] : memref<128x128xf32, #tpu.memory_space<vmem>>, vector<128x128xf32>
    %dot_general3A_45 = arith.constant dense<0.000000e+00> : vector<128x128xf32>
    %dot_general3A_46 = tpu.matmul %add3A_41, %get3A_44, %dot_general3A_45 {dimension_numbers = #tpu.dot_dimension_numbers<[1], [0], [0], [1], [0, 0, 1, 1], [], []>, transpose_lhs_hint = false} : vector<128x128xf32>, vector<128x128xf32>, vector<128x128xf32> -> vector<128x128xf32>
    %sub3A_47 = arith.subf %slice3A_27, %slice3A_28 : vector<128x128xf32>
    %abs3A_48 = math.absf %sub3A_47 : vector<128x128xf32>
    %get3A_49 = arith.constant 0 : index
    %get3A_50 = arith.constant 0 : index
    %get3A_51 = vector.load %arg8[%get3A_49, %get3A_50] : memref<128x128xf32, #tpu.memory_space<vmem>>, vector<128x128xf32>
    %dot_general3A_52 = arith.constant dense<0.000000e+00> : vector<128x128xf32>
    %dot_general3A_53 = tpu.matmul %abs3A_48, %get3A_51, %dot_general3A_52 {dimension_numbers = #tpu.dot_dimension_numbers<[1], [0], [0], [1], [0, 0, 1, 1], [], []>, transpose_lhs_hint = false} : vector<128x128xf32>, vector<128x128xf32>, vector<128x128xf32> -> vector<128x128xf32>
    %add3A_54 = arith.addf %dot_general3A_46, %dot_general3A_53 : vector<128x128xf32>
    %add3A_55 = vector.broadcast %add3A_40 : vector<1x128xf32> to vector<128x128xf32>
    %add3A_56 = arith.addf %add3A_54, %add3A_55 : vector<128x128xf32>
    %get3A_57 = arith.constant 0 : index
    %get3A_58 = arith.constant 0 : index
    %get3A_59 = vector.load %arg9[%get3A_57, %get3A_58] : memref<1x128xf32, #tpu.memory_space<vmem>>, vector<1x128xf32>
    %add3A_60 = vector.broadcast %get3A_59 : vector<1x128xf32> to vector<128x128xf32>
    %add3A_61 = arith.addf %add3A_56, %add3A_60 : vector<128x128xf32>
    %max3A_62 = arith.constant 0.000000e+00 : f32
    %max3A_63 = vector.broadcast %max3A_62 : f32 to vector<128x128xf32>
    %max3A_64 = arith.maximumf %add3A_61, %max3A_63 : vector<128x128xf32>
    %get3A_65 = arith.constant 0 : index
    %get3A_66 = arith.constant 0 : index
    %get3A_67 = vector.load %arg10[%get3A_65, %get3A_66] : memref<1x128xf32, #tpu.memory_space<vmem>>, vector<1x128xf32>
    %dot_general3A_68 = arith.constant dense<0.000000e+00> : vector<1x128xf32>
    %dot_general3A_69 = tpu.matmul %get3A_67, %max3A_64, %dot_general3A_68 {dimension_numbers = #tpu.dot_dimension_numbers<[1], [1], [0], [0], [0, 0, 1, 0], [], []>, transpose_lhs_hint = false} : vector<1x128xf32>, vector<128x128xf32>, vector<1x128xf32> -> vector<1x128xf32>
    %get3A_70 = arith.constant 0 : index
    %get3A_71 = arith.constant 0 : index
    %get3A_72 = vector.load %arg11[%get3A_70, %get3A_71] : memref<1x1xf32, #tpu.memory_space<vmem>>, vector<1x1xf32>
    %add3A_73 = vector.broadcast %get3A_72 : vector<1x1xf32> to vector<1x128xf32>
    %add3A_74 = arith.addf %dot_general3A_69, %add3A_73 : vector<1x128xf32>
    %swap3A = arith.constant 0 : index
    %swap3A_75 = arith.constant 0 : index
    %swap3A_76 = vector.load %arg12[%swap3A, %swap3A_75] : memref<1x128xf32, #tpu.memory_space<vmem>>, vector<1x128xf32>
    tpu.vector_store %arg12[%swap3A, %swap3A_75], %add3A_74 {strides = array<i32>} : memref<1x128xf32, #tpu.memory_space<vmem>>, vector<1x128xf32>,
    return
  }
}

</mosaic_0001>

<sc_bundles>
// kernel: kernel.10.cloned.1.call-start
scs
__scs_entry_jumppad:
0x0: {  	(pc) =	sbr.rel $0x88, $3  }
0x1: {  	(tag) =	ssettag $0x0;
	lr =	simm.s32 $0x1  }
0x2: {  	[smem:$0x3F91] =	sst lr;
	_ =	strace $0xD0000000  }
0x3: {  	_ = 	snop  }
0x4: {  	_ = 	snop  }
0x5: {  	_ = 	snop  }
0x6: {  	_ = 	snop  }
0x7: {  	_ = 	snop  }
__scs_overlays_trampoline_lowered:
0x8: {  	[smem:$0x3FA0] =	sst s0  }
0x9: {  	[smem:$0x3FA1] =	sst s1  }
0xa: {  	[smem:$0x3FA2] =	sst s2  }
0xb: {  	[smem:$0x3FA3] =	sst s3  }
0xc: {  	[smem:$0x3FA4] =	sst s4  }
0xd: {  	[smem:$0x3FA5] =	sst s5  }
0xe: {  	[smem:$0x3FA6] =	sst s6  }
0xf: {  	[smem:$0x3FA7] =	sst s7  }
0x10: {  	[smem:$0x3FA8] =	sst s8  }
0x11: {  	[smem:$0x3FA9] =	sst s9;
	s0 =	simm.s32 @!p0 $0x0  }
0x12: {  	s1 =	sld [smem:$0x3F8F];
	s0 =	simm.s32 @p0 $0x1  }
0x13: {  	[smem:$0x3FAA] =	sst s0;
	s0 =	simm.s32 @!p1 $0x0  }
0x14: {  	s2 =	sld [smem:$0x3F8E];
	s0 =	simm.s32 @p1 $0x1  }
0x15: {  	[smem:$0x3FAB] =	sst s0;
	s0 =	simm.s32 @!p2 $0x0  }
0x16: {  	s3 =	sld [smem:$0x3FDB];
	s0 =	simm.s32 @p2 $0x1  }
0x17: {  	s4 =	simm.s32 $0x1BF5;
	[smem:$0x3FAD] =	sst s0  }
0x18: {  	s0 =	sld [smem:$0x3F90];
	_ =	swait.ge [sflag:s4], $0x0  }
0x19: {  	s7 =	sld [smem:$0x3F91]  }
0x1a: {  	s8 =	sadd.s32 $0xFFFFE003, lr  }
0x1b: {  	s9 =	sadd.s32 $0xFFFFFEF7, lr;
	s5 =	simm.s32 $0xFFFFFFFF;
	p2 =	slt.u32 s8, $0xFFFFF086  }
0x1c: {  	p1 =	slt.u32 s9, $0xF7A;
	s5 =	simm.s32 @!p2 $0x0  }
0x1d: {  	s5 =	simm.s32 @p1 $0x1;
	p0 =	seq.s32 s7, s2  }
0x1e: {  	s7 =	smul.u32 @!p0 $0xF7A, s2;
	p2 =	seq.s32 @!p0 s5, $0x0  }
0x1f: {  	s9 =	smul.u32 $0xF7A, s1;
	s8 =	simm.s32 @!p0 $0x1BF5;
	p2 =	por !p2, p0  }
0x20: {  	[sflag:s8] =	ssyncset.s32 @!p0 $0xFFFFF086;
	s6 =	sadd.s32 @!p0 s3, s7;
	s7 =	simm.s32 @!p0 $0x108  }
0x21: {  	s3 =	sadd.s32 s3, s9;
	s6 =	sadd.s32 @!p0 $0x88, s6;
	s7 =	simm.s32 @p2 $0x1082  }
0x22: {  	[simem:s7], [sflag:s8] =	dma.local @!p0 [hbm:s6], $0xF7A  }
0x23: {  	s9 =	sor.u32 $0xD0000000, s2;
	s6 =	simm.s32 $0x108;
	_ =	swait.ge @!p0 [sflag:s8], $0x0  }
0x24: {  	s3 =	sadd.s32 $0x88, s3;
	s6 =	simm.s32 @!p1 $0x1082;
	[sflag:s4] =	ssyncset.s32 $0xFFFFF086  }
0x25: {  	[simem:s6], [sflag:s4] =	dma.local [hbm:s3], $0xF7A  }
0x26: {  	[smem:$0x3F91] =	sst s1;
	(tag) =	ssettag s2;
	_ =	strace s9  }
0x27: {  	s1 =	sld [smem:$0x3FA1]  }
0x28: {  	s2 =	sld [smem:$0x3FA2]  }
0x29: {  	s4 =	sld [smem:$0x3FA4]  }
0x2a: {  	p0 =	seq.s32 s5, $0x0;
	s5 =	sld [smem:$0x3FA5]  }
0x2b: {  	s6 =	sld [smem:$0x3FA6]  }
0x2c: {  	s7 =	sld [smem:$0x3FA7]  }
0x2d: {  	s3 =	simm.s32 $0x108;
	s8 =	sld [smem:$0x3FA8]  }
0x2e: {  	s3 =	simm.s32 @!p0 $0x1082;
	s9 =	sld [smem:$0x3FA9]  }
0x2f: {  	lr =	sadd.s32 s0, s3;
	s0 =	sld [smem:$0x3FA0]  }
0x30: {  	s3 =	sld [smem:$0x3FA3]  }
0x31: {  	[smem:$0x3FAC] =	sst s10  }
0x32: {  	s10 =	sld [smem:$0x3FAA];
	_ =	sdelay $0x3  }
0x33: {  	p0 =	seq.s32 s10, $0x1;
	s10 =	sld [smem:$0x3FAC];
	_ =	sdelay $0x3  }
0x34: {  	[smem:$0x3FAC] =	sst s10  }
0x35: {  	s10 =	sld [smem:$0x3FAB];
	_ =	sdelay $0x3  }
0x36: {  	p1 =	seq.s32 s10, $0x1;
	s10 =	sld [smem:$0x3FAC];
	_ =	sdelay $0x3  }
0x37: {  	[smem:$0x3FAC] =	sst s10  }
0x38: {  	s10 =	sld [smem:$0x3FAD]  }
0x39: {  	_ = 	snop;
	(pc) =	sbr.ind lr, $3  }
0x3a: {  	_ = 	snop  }
0x3b: {  	_ = 	snop  }
0x3c: {  	p2 =	seq.s32 s10, $0x1;
	s10 =	sld [smem:$0x3FAC]  }
0x3d: {  	_ =	shalt  }
0x3e: {  	_ =	shalt  }
0x3f: {  	_ =	shalt  }
0x40: {  	_ =	shalt  }
0x41: {  	_ =	shalt  }
0x42: {  	_ =	shalt  }
0x43: {  	_ =	shalt  }
0x44: {  	_ =	shalt  }
0x45: {  	_ =	shalt  }
0x46: {  	_ =	shalt  }
0x47: {  	_ =	shalt  }
0x48: {  	_ =	shalt  }
0x49: {  	_ =	shalt  }
0x4a: {  	_ =	shalt  }
0x4b: {  	_ =	shalt  }
0x4c: {  	_ =	shalt  }
0x4d: {  	_ =	shalt  }
0x4e: {  	_ =	shalt  }
0x4f: {  	_ =	shalt  }
0x50: {  	_ =	shalt  }
0x51: {  	_ =	shalt  }
0x52: {  	_ =	shalt  }
0x53: {  	_ =	shalt  }
0x54: {  	_ =	shalt  }
0x55: {  	_ =	shalt  }
0x56: {  	_ =	shalt  }
0x57: {  	_ =	shalt  }
0x58: {  	_ =	shalt  }
0x59: {  	_ =	shalt  }
0x5a: {  	_ =	shalt  }
0x5b: {  	_ =	shalt  }
0x5c: {  	_ =	shalt  }
0x5d: {  	_ =	shalt  }
0x5e: {  	_ =	shalt  }
0x5f: {  	_ =	shalt  }
0x60: {  	_ =	shalt  }
0x61: {  	_ =	shalt  }
0x62: {  	_ =	shalt  }
0x63: {  	_ =	shalt  }
0x64: {  	_ =	shalt  }
0x65: {  	_ =	shalt  }
0x66: {  	_ =	shalt  }
0x67: {  	_ =	shalt  }
0x68: {  	_ =	shalt  }
0x69: {  	_ =	shalt  }
0x6a: {  	_ =	shalt  }
0x6b: {  	_ =	shalt  }
0x6c: {  	_ =	shalt  }
0x6d: {  	_ =	shalt  }
0x6e: {  	_ =	shalt  }
0x6f: {  	_ =	shalt  }
0x70: {  	_ =	shalt  }
0x71: {  	_ =	shalt  }
0x72: {  	_ =	shalt  }
0x73: {  	_ =	shalt  }
0x74: {  	_ =	shalt  }
0x75: {  	_ =	shalt  }
0x76: {  	_ =	shalt  }
0x77: {  	_ =	shalt  }
0x78: {  	_ =	shalt  }
0x79: {  	_ =	shalt  }
0x7a: {  	_ =	shalt  }
0x7b: {  	_ =	shalt  }
0x7c: {  	_ =	shalt  }
0x7d: {  	_ =	shalt  }
0x7e: {  	_ =	shalt  }
0x7f: {  	_ =	shalt  }
0x80: {  	_ =	shalt  }
0x81: {  	_ =	shalt  }
0x82: {  	_ =	shalt  }
0x83: {  	_ =	shalt  }
0x84: {  	_ =	shalt  }
0x85: {  	_ =	shalt  }
0x86: {  	_ =	shalt  }
0x87: {  	_ =	shalt  }
.Lfunc_end0:
.L_simem_size_0:
called_computation.1_lowered:
.L_overlay_start_0:
0x88: {  	s2 =	sld [smem:$0x3FD9]  }
0x89: {  	s3 =	sld [smem:$0x3FFE];
	_ =	sdelay $0x1  }
0x8a: {  	s1 =	srdreg.scid  }
0x8b: {  	s0 =	sand.u32 $0x1, s1  }
0x8c: {  	s16 =	sshll.u32 s0, $0xA;
	s2 =	sadd.s32 s3, s2  }
0x8d: {  	s2 =	sadd.s32 s2, s16  }
0x8e: {  	[smem:$0x3FB8] =	sst s2  }
0x8f: {  	_ = 	snop  }
0x90: {  	(tm) =	ssettm $0x1  }
0x91: {  	s17 =	sld [smem:$0x3FFB];
	_ =	sdelay $0x3  }
0x92: {  	_ =	strace s17  }
0x93: {  	s2 =	sld [smem:$0x3FFC];
	_ =	sdelay $0x3  }
0x94: {  	_ =	strace s2  }
0x95: {  	s2 =	sld [smem:$0x3FFD];
	_ =	sdelay $0x3  }
0x96: {  	_ =	strace s2  }
0x97: {  	_ =	strace $0x8FFFFFFF  }
0x98: {  	s18 =	sld [smem:$0x3FDB];
	_ =	sdelay $0x1  }
0x99: {  	s19 =	simm.s32 $_scs_section_size  }
0x9a: {  	s4 =	simm.s32 $_size__tile_overlayer_lowered;
	s5 =	simm.s32 $_tile_overlayer_lowered  }
0x9b: {  	s22 =	simm.s32 $0x1BFF;
	s21 =	sshll.u32 s5, $0x1;
	s2 =	sadd.s32 s19, s18  }
0x9c: {  	s6 =	simm.s32 $0x0;
	s20 =	sshll.u32 s4, $0x1;
	s4 =	sadd.s32 s21, s2  }
0x9d: {  	[timem:s6], [sflag:s22] =	dma.local [hbm:s4], s20  }
0x9e: {  	_ =	swait.ge [sflag:s22], s20  }
0x9f: {  	s3 =	ssub.s32 $0x0, s20;
	[sflag:s22] =	ssyncset.done $0x0  }
0xa0: {  	[sflag:s22] =	ssyncadd.s32 s3;
	_ =	sdelay $0x1  }
0xa1: {  	s23 =	simm.s32 $0x1B8B  }
0xa2: {  	_ =	swait.ge [sflag:s23], $0x1  }
0xa3: {  	[sflag:s23] =	ssyncset.done $0x0  }
0xa4: {  	s25 =	simm.s32 $0x1B8E;
	s24 =	sld [smem:$0x3FFE];
	[sflag:s23] =	ssyncadd.s32 $0xFFFFFFFF  }
0xa5: {  	s26 =	simm.s32 $execute0_lowered;
	[smem:$0x3FD2] =	sst s25  }
0xa6: {  	s4 =	sshll.u32 s26, $0x1;
	_ =	strace $0x80000049;
	[dreg:$0x1] =	wrdreg $0xFFFFFFFF  }
0xa7: {  	s28 =	simm.s32 $_size_execute0_lowered;
	s2 =	sadd.s32 s2, s4;
	[dreg:$0x0] =	wrdreg $0x0  }
0xa8: {  	s4 =	sshll.u32 s28, $0x1;
	[dreg:$0x2] =	wrdreg s2  }
0xa9: {  	[dreg:$0x3] =	wrdreg s4  }
0xaa: {  	[dreg:$0x4] =	wrdreg $0xC0  }
0xab: {  	_ =	task [dreg:s6], $0x5FFFF  }
0xac: {  	[dreg:$0x1] =	wrdreg $0xFFFFFFFF  }
0xad: {  	[dreg:$0x0] =	wrdreg $0x60  }
0xae: {  	[dreg:$0x2] =	wrdreg s24  }
0xaf: {  	[dreg:$0x3] =	wrdreg $0x0  }
0xb0: {  	[dreg:$0x4] =	wrdreg $0x9  }
0xb1: {  	_ =	task.clear_ibuf [dreg:s6], $0x5FFFF;
	_ =	strace $0x90000049  }
0xb2: {  	s29 =	simm.s32 $0x9;
	_ =	strace $0x8000004B  }
0xb3: {  	_ =	swait.ge [sflag:s29], $0x1  }
0xb4: {  	[sflag:s29] =	ssyncadd.s32 $0xFFFFFFFF  }
0xb5: {  	_ =	strace $0x9000004B  }
0xb6: {  	_ =	sfence  }
0xb7: {  	s30 =	sld [smem:$0x0];
	_ =	sdelay $0x2  }
0xb8: {  	s31 =	sshll.u32 s1, $0xD;
	s1 =	sshrl.u32 s1, $0x2  }
0xb9: {  	s3 =	sand.u32 $0x4000, s31;
	s1 =	sadd.s32 s1, s30  }
0xba: {  	s0 =	sor.u32 s3, s0;
	s1 =	sshll.u32 s1, $0x11  }
0xbb: {  	s0 =	sor.u32 s1, s0  }
0xbc: {  	s0 =	sadd.s32 $0x8F2B, s0  }
0xbd: {  	[sflag:s0] =	ssyncadd.remote.s32 $0x1  }
0xbe: {  	_ =	sfence.sel $0xFFFF  }
0xbf: {  	[dreg:$0x0] =	wrdreg $0xFFFFFFFF;
	(pc) =	sbr.abs _section_cstart, $3  }
0xc0: {  	[dreg:$0x1] =	wrdreg $0xFFFFFFFF  }
0xc1: {  	_ =	task.clear_ibuf [dreg:s6], $0x2FFFF;
	_ =	strace $0x9FFFFFFF  }
0xc2: {  	(tm) =	ssettm $0x7FFFFFFF  }
0xc3: {  	_ =	shalt  }
tec
execute0_lowered:
.L_overlay_start_1:
0x0: {  	(tag) =	ssettag $0x1  }
0x1: {  	s0 =	rddreg [dreg:$0x0]  }
0x2: {  	s2 =	rddreg [dreg:$0x1];
	s3 =	simm.s32 $0x0;
	s1 =	stileid.u32  }
0x3: {  	s4 =	srdreg.scid;
	s28 =	simm.s32 $0x1A080;
	s29 =	simm.s32 $0x16000  }
0x4: {  	s30 =	simm.s32 $0x3;
	s31 =	simm.s32 $0x5;
	[smem:$0x7FF] =	sst s3  }
0x5: {  	s6 =	smul.u32 $0x2700, s1;
	s8 =	sand.u32 $0x1, s4;
	s24 =	sshll.u32 s1, $0x1  }
0x6: {  	s4 =	sadd.s32 $0x3D800, s0;
	s11 =	sadd.s32 $0xC800, s0;
	s25 =	smul.u32 $0x4E000, s1  }
0x7: {  	s14 =	sadd.s32 $0x64A00, s0;
	p2 =	seq.s32 s1, $0xF;
	s17 =	sadd.s32 $0x64800, s0  }
0x8: {  	s18 =	smul.u32 $0x13800, s1;
	p4 =	sne.s32 s1, $0xF;
	_ =	strace $0x8000004A  }
0x9: {  	s5 =	sor.u32 s8, s24;
	s10 =	ssub.s32 $0x2, s8;
	s16 =	smul.u32 $0x138800, s8  }
0xa: {  	p0 =	seq.s32 s8, $0x0;
	[dreg:$0x6] =	wrdreg s17;
	s20 =	smul.u32 $0x2710, s8  }
0xb: {  	p3 =	sne.s32 s8, $0x0;
	s9 =	sadd.s32 s6, s0;
	s7 =	smul.u32 $0x2710, s5  }
0xc: {  	s5 =	sadd.s32 $0x2A00, s0;
	s12 =	sshrl.u32 s10, $0x1;
	s6 =	sadd.s32 s4, s6  }
0xd: {  	p1 =	por !p0, !p2;
	p0 =	seq.s32 s8, $0x1;
	s0 =	sadd.s32 $0x3D600, s0  }
0xe: {  	s8 =	simm.s32 $0x1E080;
	s12 =	ssub.s32 s10, s12;
	[dreg:$0x4] =	wrdreg s6  }
0xf: {  	s15 =	sadd.s32 $0x16600, s9;
	p1 =	por !p1, !p1;
	s10 =	sadd.s32 $0x138000, s2  }
0x10: {  	p2 =	por !p2, !p0;
	[dreg:$0x7] =	wrdreg s0;
	s21 =	sadd.s32 s18, s16  }
0x11: {  	s6 =	sshrl.u32 s16, $0x3;
	s9 =	simm.s32 $0x1E100;
	s13 =	sshrl.u32 s7, $0x3  }
0x12: {  	s7 =	sshrl.u32 s25, $0x2;
	[dreg:$0x5] =	wrdreg s15;
	p2 =	por !p2, !p2  }
0x13: {  	s15 =	smul.u32 $0x4E20, s1;
	s6 =	sadd.s32 s14, s6;
	s25 =	smax.u32 s12, $0x1  }
0x14: {  	s12 =	simm.s32 $0x1E180;
	s26 =	sadd.s32 s11, s13;
	s7 =	sadd.s32 s7, s2  }
0x15: {  	s19 =	sadd.s32 $0x4E0, s13;
	s13 =	sadd.s32 s5, s13;
	s23 =	sadd.s32 $0x27000, s6  }
0x16: {  	[dreg:$0xc] =	wrdreg s25;
	s25 =	simm.s32 $0x16080;
	s6 =	simm.s32 $0x2  }
0x17: {  	[dreg:$0x3] =	wrdreg s26;
	s11 =	sadd.s32 s11, s19;
	s0 =	sadd.s32 s5, s19  }
0x18: {  	s22 =	sadd.s32 s20, s15;
	[dreg:$0xb] =	wrdreg s23;
	s19 =	smov.u32 s13  }
0x19: {  	s26 =	sadd.s32 $0x4D0, s13;
	s23 =	simm.s32 $0x1;
	[dreg:$0x8] =	wrdreg s11  }
0x1a: {  	[dreg:$0x9] =	wrdreg s0;
	s0 =	sshrl.u32 s21, $0x3;
	s24 =	sadd.s32 $0x80, s22  }
0x1b: {  	[dreg:$0xd] =	wrdreg s26;
	s16 =	sadd.s32 $0x100, s22;
	s22 =	simm.s32 $0x13880  }
0x1c: {  	s26 =	simm.s32 $0x15F80;
	s11 =	simm.s32 $0x10;
	s0 =	sadd.s32 s14, s0  }
0x1d: {  	s14 =	simm.s32 $0x0;
	[dreg:$0xa] =	wrdreg s0;
	s0 =	sshrl.u32 s24, $0x3  }
0x1e: {  	s24 =	simm.s32 $0x80;
	s20 =	sadd.s32 s0, s5;
	s0 =	simm.s32 $0x4  }
.LBB2_1:
0x1f: {  	s13 =	rddreg [dreg:$0x3]  }
0x20: {  	[tilespmem:s22], [sflag:$0x1] =	stream.linear.gather [hbm4b:s13+s3], $0x2700, $0x38;
	[tilespmem:$0x1E980] =	vst v63  }
0x21: {  	s13 =	sshll.u32 @!p3 s1, $0x6  }
0x22: {  	s15 =	sshrl.u32 @!p3 s7, $0x3;
	s17 =	rddreg [dreg:$0x4];
	s13 =	sor.u32 @!p3 $0x1C05, s13  }
0x23: {  	[spmem:s15], [sflag:s13] =	dma.local @!p3 [hbm:s17], $0x2700  }
0x24: {  	s13 =	simm.s32 @!p3 $0x5  }
0x25: {  	_ =	swait.ge @!p3 [sflag:s13], $0x2700  }
0x26: {  	s15 =	sshll.u32 @p0 s1, $0x6;
	[sflag:s13] =	ssyncset.done @!p3 $0x0;
	s17 =	rddreg [dreg:$0x5]  }
0x27: {  	[sflag:s13] =	ssyncadd.s32 @!p3 $0xFFFFD900;
	s13 =	sor.u32 @p0 $0x1C05, s15;
	s15 =	sshrl.u32 @p0 s7, $0x3  }
0x28: {  	[spmem:s15], [sflag:s13] =	dma.local @p0 [hbm:s17], $0x2700  }
0x29: {  	s13 =	simm.s32 @p0 $0x5  }
0x2a: {  	_ =	swait.ge @p0 [sflag:s13], $0x2700  }
0x2b: {  	s15 =	simm.s32 @p1 $0x1FC5;
	[sflag:s13] =	ssyncset.done @p0 $0x0  }
0x2c: {  	s17 =	rddreg [dreg:$0x6];
	[sflag:s13] =	ssyncadd.s32 @p0 $0xFFFFD900;
	s13 =	sshrl.u32 @p1 s10, $0x3  }
0x2d: {  	[spmem:s13], [sflag:s15] =	dma.local @p1 [hbm:s17], $0x100  }
0x2e: {  	s13 =	simm.s32 @p1 $0x5  }
0x2f: {  	_ =	swait.ge @p1 [sflag:s13], $0x100  }
0x30: {  	s15 =	simm.s32 @p2 $0x1FC5;
	[sflag:s13] =	ssyncset.done @p1 $0x0  }
0x31: {  	s17 =	rddreg [dreg:$0x7];
	[sflag:s13] =	ssyncadd.s32 @p1 $0xFFFFFF00;
	s13 =	sshrl.u32 @p2 s10, $0x3  }
0x32: {  	[spmem:s13], [sflag:s15] =	dma.local @p2 [hbm:s17], $0x100  }
0x33: {  	s13 =	simm.s32 @p2 $0x5  }
0x34: {  	_ =	swait.ge @p2 [sflag:s13], $0x100  }
0x35: {  	[sflag:s13] =	ssyncset.done @p2 $0x0  }
0x36: {  	[sflag:s13] =	ssyncadd.s32 @p2 $0xFFFFFF00  }
0x37: {  	_ =	swait.ge [sflag:s23], $0x2700  }
0x38: {  	[sflag:s23] =	ssyncset.done $0x0  }
0x39: {  	[sflag:s23] =	ssyncadd.s32 $0xFFFFD900  }
0x3a: {  	[bflag:$0x0] =	sbarrier.arrive $0xFFFF  }
0x3b: {  	[tilespmem:s25], [sflag:$0x3] =	stream.indirect.gather [hbm4b:s4+s24], $0x80, s22, s24, $0xb8;
	[tilespmem:$0x1E980] =	vst v63  }
0x3c: {  	_ = 	snop  }
0x3d: {  	[tilespmem:s26], [sflag:$0x1] =	stream.linear.gather [hbm4b:s19+s3], $0x80, $0x38;
	[tilespmem:$0x1E980] =	vst v63  }
0x3e: {  	s15 =	simm.s32 $0x13900  }
0x3f: {  	[tilespmem:s28], [sflag:$0x4] =	stream.indirect.gather [hbm4b:s4+s24], $0x80, s15, s24, $0xb8;
	[tilespmem:$0x1E980] =	vst v63  }
0x40: {  	s17 =	sadd.s32 $0x0, s20  }
0x41: {  	[tilespmem:s29], [sflag:$0x2] =	stream.linear.gather [hbm4b:s17+s3], $0x80, $0x38;
	[tilespmem:$0x1E980] =	vst v63  }
0x42: {  	_ =	swait.ge [sflag:s30], $0x4000  }
0x43: {  	[sflag:s30] =	ssyncset.done $0x0  }
0x44: {  	[sflag:s30] =	ssyncadd.s32 $0xFFFFC000  }
0x45: {  	_ =	swait.ge [sflag:s23], $0x80  }
0x46: {  	[sflag:s23] =	ssyncset.done $0x0  }
0x47: {  	[sflag:s23] =	ssyncadd.s32 $0xFFFFFF80  }
0x48: {  	[spmem:s2] =	stream.indirect.scatter.add.f32 [tilespmem:s25], [sflag:$0x5], $0x80, s26, s24, $0xb8;
	[tilespmem:$0x1E980] =	vst v63  }
0x49: {  	_ =	swait.ge [sflag:s31], $0x4000  }
0x4a: {  	[sflag:s31] =	ssyncset.done $0x0  }
0x4b: {  	s18 =	simm.s32 $0x13980;
	s21 =	sshrl.u32 s16, $0x3;
	[sflag:s31] =	ssyncadd.s32 $0xFFFFC000  }
0x4c: {  	[tilespmem:s25], [sflag:$0x3] =	stream.indirect.gather [hbm4b:s4+s24], $0x80, s18, s24, $0xb8;
	[tilespmem:$0x1E980] =	vst v63  }
0x4d: {  	s21 =	sadd.s32 s5, s21  }
0x4e: {  	[tilespmem:s26], [sflag:$0x1] =	stream.linear.gather [hbm4b:s21+s3], $0x80, $0x38;
	[tilespmem:$0x1E980] =	vst v63  }
0x4f: {  	_ =	swait.ge [sflag:s0], $0x4000  }
0x50: {  	[sflag:s0] =	ssyncset.done $0x0  }
0x51: {  	[sflag:s0] =	ssyncadd.s32 $0xFFFFC000  }
0x52: {  	_ =	swait.ge [sflag:s6], $0x80  }
0x53: {  	[sflag:s6] =	ssyncset.done $0x0  }
0x54: {  	[sflag:s6] =	ssyncadd.s32 $0xFFFFFF80  }
0x55: {  	[spmem:s2] =	stream.indirect.scatter.add.f32 [tilespmem:s28], [sflag:$0x5], $0x80, s29, s24, $0xb8;
	[tilespmem:$0x1E980] =	vst v63  }
0x56: {  	_ =	swait.ge [sflag:s31], $0x4000  }
0x57: {  	s13 =	simm.s32 $0x20;
	s21 =	smov.u32 s16;
	[sflag:s31] =	ssyncset.done $0x0  }
.LBB2_2:
0x58: {  	[sflag:s31] =	ssyncadd.s32 $0xFFFFC000;
	s15 =	sadd.s32 $0x100, s15;
	s21 =	sadd.s32 $0x100, s21  }
0x59: {  	[tilespmem:s28], [sflag:$0x4] =	stream.indirect.gather [hbm4b:s4+s24], $0x80, s15, s24, $0xb8;
	[tilespmem:$0x1E980] =	vst v63  }
0x5a: {  	s17 =	sadd.s32 s13, s20;
	p5 =	sne.s32 s13, $0x4A0;
	s13 =	sadd.s32 $0x20, s13  }
0x5b: {  	[tilespmem:s29], [sflag:$0x2] =	stream.linear.gather [hbm4b:s17+s3], $0x80, $0x38;
	[tilespmem:$0x1E980] =	vst v63  }
0x5c: {  	_ =	swait.ge [sflag:s30], $0x4000  }
0x5d: {  	[sflag:s30] =	ssyncset.done $0x0  }
0x5e: {  	[sflag:s30] =	ssyncadd.s32 $0xFFFFC000  }
0x5f: {  	_ =	swait.ge [sflag:s23], $0x80  }
0x60: {  	[sflag:s23] =	ssyncset.done $0x0  }
0x61: {  	[sflag:s23] =	ssyncadd.s32 $0xFFFFFF80  }
0x62: {  	[spmem:s2] =	stream.indirect.scatter.add.f32 [tilespmem:s25], [sflag:$0x5], $0x80, s26, s24, $0xb8;
	[tilespmem:$0x1E980] =	vst v63  }
0x63: {  	_ =	swait.ge [sflag:s31], $0x4000  }
0x64: {  	[sflag:s31] =	ssyncset.done $0x0  }
0x65: {  	s18 =	sshrl.u32 s21, $0x3;
	s17 =	sadd.s32 $0x80, s15;
	[sflag:s31] =	ssyncadd.s32 $0xFFFFC000  }
0x66: {  	[tilespmem:s25], [sflag:$0x3] =	stream.indirect.gather [hbm4b:s4+s24], $0x80, s17, s24, $0xb8;
	[tilespmem:$0x1E980] =	vst v63  }
0x67: {  	s17 =	sadd.s32 s5, s18  }
0x68: {  	[tilespmem:s26], [sflag:$0x1] =	stream.linear.gather [hbm4b:s17+s3], $0x80, $0x38;
	[tilespmem:$0x1E980] =	vst v63  }
0x69: {  	_ =	swait.ge [sflag:s0], $0x4000  }
0x6a: {  	[sflag:s0] =	ssyncset.done $0x0  }
0x6b: {  	[sflag:s0] =	ssyncadd.s32 $0xFFFFC000  }
0x6c: {  	_ =	swait.ge [sflag:s6], $0x80  }
.Ltmp0:
0x6d: {  	[sflag:s6] =	ssyncset.done $0x0;
	(pc) =	sbr.rel @p5 .LBB2_2-.Ltmp0, $4  }
0x6e: {  	[sflag:s6] =	ssyncadd.s32 $0xFFFFFF80  }
0x6f: {  	[spmem:s2] =	stream.indirect.scatter.add.f32 [tilespmem:s28], [sflag:$0x5], $0x80, s29, s24, $0xb8;
	[tilespmem:$0x1E980] =	vst v63  }
0x70: {  	_ =	swait.ge [sflag:s31], $0x4000  }
0x71: {  	[sflag:s31] =	ssyncset.done $0x0  }
0x72: {  	[sflag:s31] =	ssyncadd.s32 $0xFFFFC000;
	s13 =	simm.s32 $0x15F00  }
0x73: {  	[tilespmem:s28], [sflag:$0x4] =	stream.indirect.gather [hbm4b:s4+s24], $0x80, s13, s24, $0xb8;
	[tilespmem:$0x1E980] =	vst v63  }
0x74: {  	s21 =	rddreg [dreg:$0xd]  }
0x75: {  	[tilespmem:s29], [sflag:$0x2] =	stream.linear.gather [hbm4b:s21+s3], $0x80, $0x38;
	[tilespmem:$0x1E980] =	vst v63  }
0x76: {  	_ =	swait.ge [sflag:s30], $0x4000  }
0x77: {  	[sflag:s30] =	ssyncset.done $0x0  }
0x78: {  	[sflag:s30] =	ssyncadd.s32 $0xFFFFC000  }
0x79: {  	_ =	swait.ge [sflag:s23], $0x80  }
0x7a: {  	[sflag:s23] =	ssyncset.done $0x0  }
0x7b: {  	[sflag:s23] =	ssyncadd.s32 $0xFFFFFF80  }
0x7c: {  	[spmem:s2] =	stream.indirect.scatter.add.f32 [tilespmem:s25], [sflag:$0x5], $0x80, s26, s24, $0xb8;
	[tilespmem:$0x1E980] =	vst v63  }
0x7d: {  	_ =	swait.ge [sflag:s31], $0x4000  }
0x7e: {  	[sflag:s31] =	ssyncset.done $0x0  }
0x7f: {  	[sflag:s31] =	ssyncadd.s32 $0xFFFFC000  }
0x80: {  	_ =	swait.ge [sflag:s0], $0x4000  }
0x81: {  	[sflag:s0] =	ssyncset.done $0x0  }
0x82: {  	[sflag:s0] =	ssyncadd.s32 $0xFFFFC000  }
0x83: {  	_ =	swait.ge [sflag:s6], $0x80  }
0x84: {  	[sflag:s6] =	ssyncset.done $0x0  }
0x85: {  	[sflag:s6] =	ssyncadd.s32 $0xFFFFFF80  }
0x86: {  	[spmem:s2] =	stream.indirect.scatter.add.f32 [tilespmem:s28], [sflag:$0x5], $0x80, s29, s24, $0xb8;
	[tilespmem:$0x1E980] =	vst v63  }
0x87: {  	_ =	swait.ge [sflag:s31], $0x4000  }
0x88: {  	[sflag:s31] =	ssyncset.done $0x0  }
0x89: {  	s15 =	rddreg [dreg:$0x8];
	[sflag:s31] =	ssyncadd.s32 $0xFFFFC000  }
0x8a: {  	[tilespmem:s8], [sflag:$0x5] =	stream.linear.gather [hbm4b:s15+s3], $0x10, $0x38;
	[tilespmem:$0x1E980] =	vst v63  }
0x8b: {  	_ =	swait.ge [sflag:s31], $0x10  }
0x8c: {  	[sflag:s31] =	ssyncset.done $0x0  }
0x8d: {  	s17 =	rddreg [dreg:$0x9];
	[sflag:s31] =	ssyncadd.s32 $0xFFFFFFF0  }
0x8e: {  	[tilespmem:s9], [sflag:$0x5] =	stream.linear.gather [hbm4b:s17+s3], $0x10, $0x38;
	[tilespmem:$0x1E980] =	vst v63  }
0x8f: {  	_ =	swait.ge [sflag:s31], $0x10  }
0x90: {  	[sflag:s31] =	ssyncset.done $0x0  }
0x91: {  	[sflag:s31] =	ssyncadd.s32 $0xFFFFFFF0  }
0x92: {  	[tilespmem:s12], [sflag:$0x3] =	stream.indirect.gather [hbm4b:s4+s11], $0x80, s8, s11, $0xb8;
	[tilespmem:$0x1E980] =	vst v63  }
0x93: {  	_ =	swait.ge [sflag:s30], $0x800  }
0x94: {  	[sflag:s30] =	ssyncset.done $0x0  }
0x95: {  	[sflag:s30] =	ssyncadd.s32 $0xFFFFF800  }
0x96: {  	[spmem:s2] =	stream.indirect.scatter.add.f32 [tilespmem:s12], [sflag:$0x5], $0x80, s9, s11, $0xb8;
	[tilespmem:$0x1E980] =	vst v63  }
0x97: {  	_ =	swait.ge [sflag:s31], $0x800  }
0x98: {  	[sflag:s31] =	ssyncset.done $0x0  }
0x99: {  	[sflag:s31] =	ssyncadd.s32 $0xFFFFF800  }
0x9a: {  	s18 =	sshll.u32 s1, $0x6;
	[bflag:$0x0] =	sbarrier.arrive $0xFFFF  }
0x9b: {  	s13 =	sor.u32 $0x1C05, s18;
	s15 =	sshrl.u32 s7, $0x3;
	s17 =	rddreg [dreg:$0xa]  }
0x9c: {  	[hbm:s17], [sflag:s13] =	dma.local [spmem:s15], $0x2700  }
0x9d: {  	_ =	swait.ge [sflag:s31], $0x2700  }
0x9e: {  	[sflag:s31] =	ssyncset.done $0x0  }
0x9f: {  	s15 =	sshrl.u32 @!p4 s10, $0x3;
	s17 =	rddreg [dreg:$0xb];
	[sflag:s31] =	ssyncadd.s32 $0xFFFFD900  }
0xa0: {  	[hbm:s17], [sflag:s13] =	dma.local @!p4 [spmem:s15], $0x100  }
0xa1: {  	s13 =	simm.s32 @!p4 $0x5  }
0xa2: {  	_ =	swait.ge @!p4 [sflag:s13], $0x100  }
0xa3: {  	s14 =	sadd.s32 $0x1, s14;
	s21 =	rddreg [dreg:$0xc]  }
0xa4: {  	p5 =	sne.s32 s14, s21  }
.Ltmp1:
0xa5: {  	_ = 	snop;
	(pc) =	sbr.rel @p5 .LBB2_1-.Ltmp1, $3  }
0xa6: {  	_ =	sdelay $0x1  }
0xa7: {  	[sflag:s13] =	ssyncset.done @!p4 $0x0  }
0xa8: {  	[sflag:s13] =	ssyncadd.s32 @!p4 $0xFFFFFF00  }
0xa9: {  	_ =	sfence.sel $0x180000  }
0xaa: {  	[bflag:$0x0] =	sbarrier.arrive $0xFFFF  }
0xab: {  	_ =	strace $0x9000004A  }
0xac: {  	[bflag:$0x2] =	sbarrier.arrive $0xFFFF  }
0xad: {  	p0 =	sne.s32 s1, $0x0;
	s0 =	rddreg [dreg:$0x2]  }
0xae: {  	s0 =	sadd.s32 @!p0 $0x100000, s0  }
0xaf: {  	[sflag:s0] =	ssyncadd.tile.s32 @!p0 $0x1;
	_ =	shalt  }
.Lfunc_end2:
_tile_overlayer_lowered:
.L_overlay_start_2:
0xb0: {  	(tag) =	ssettag $0x2  }
0xb1: {  	s0 =	rddreg [dreg:$0x0];
	s2 =	stileid.u32  }
0xb2: {  	s1 =	rddreg [dreg:$0x1];
	p0 =	sne.s32 s2, $0x0  }
0xb3: {  	s3 =	rddreg [dreg:$0x2];
	[bflag:$0x3] =	sbarrier.arrive $0xFFFF;
	s2 =	simm.s32 @!p0 $0x1C05  }
0xb4: {  	[timem:s3], [sflag:s2] =	dma.local @!p0 [hbm:s0], s1  }
0xb5: {  	s0 =	simm.s32 @!p0 $0x5  }
0xb6: {  	_ =	swait.ge @!p0 [sflag:s0], s1  }
0xb7: {  	s1 =	ssub.s32 @!p0 $0x0, s1;
	[sflag:s0] =	ssyncset.done @!p0 $0x0  }
0xb8: {  	[sflag:s0] =	ssyncadd.s32 @!p0 s1  }
0xb9: {  	[bflag:$0x3] =	sbarrier.arrive $0xFFFF  }
0xba: {  	_ =	shalt  }

// kernel: kernel.13.cloned.1.call-start
scs
__scs_entry_jumppad:
0x0: {  	(pc) =	sbr.rel $0x88, $3  }
0x1: {  	(tag) =	ssettag $0x0;
	lr =	simm.s32 $0x1  }
0x2: {  	[smem:$0x3F91] =	sst lr;
	_ =	strace $0xD0000000  }
0x3: {  	_ = 	snop  }
0x4: {  	_ = 	snop  }
0x5: {  	_ = 	snop  }
0x6: {  	_ = 	snop  }
0x7: {  	_ = 	snop  }
__scs_overlays_trampoline_lowered:
0x8: {  	[smem:$0x3FA0] =	sst s0  }
0x9: {  	[smem:$0x3FA1] =	sst s1  }
0xa: {  	[smem:$0x3FA2] =	sst s2  }
0xb: {  	[smem:$0x3FA3] =	sst s3  }
0xc: {  	[smem:$0x3FA4] =	sst s4  }
0xd: {  	[smem:$0x3FA5] =	sst s5  }
0xe: {  	[smem:$0x3FA6] =	sst s6  }
0xf: {  	[smem:$0x3FA7] =	sst s7  }
0x10: {  	[smem:$0x3FA8] =	sst s8  }
0x11: {  	[smem:$0x3FA9] =	sst s9;
	s0 =	simm.s32 @!p0 $0x0  }
0x12: {  	s1 =	sld [smem:$0x3F8F];
	s0 =	simm.s32 @p0 $0x1  }
0x13: {  	[smem:$0x3FAA] =	sst s0;
	s0 =	simm.s32 @!p1 $0x0  }
0x14: {  	s2 =	sld [smem:$0x3F8E];
	s0 =	simm.s32 @p1 $0x1  }
0x15: {  	[smem:$0x3FAB] =	sst s0;
	s0 =	simm.s32 @!p2 $0x0  }
0x16: {  	s3 =	sld [smem:$0x3FDB];
	s0 =	simm.s32 @p2 $0x1  }
0x17: {  	s4 =	simm.s32 $0x1BF5;
	[smem:$0x3FAD] =	sst s0  }
0x18: {  	s0 =	sld [smem:$0x3F90];
	_ =	swait.ge [sflag:s4], $0x0  }
0x19: {  	s7 =	sld [smem:$0x3F91]  }
0x1a: {  	s8 =	sadd.s32 $0xFFFFE003, lr  }
0x1b: {  	s9 =	sadd.s32 $0xFFFFFEF7, lr;
	s5 =	simm.s32 $0xFFFFFFFF;
	p2 =	slt.u32 s8, $0xFFFFF086  }
0x1c: {  	p1 =	slt.u32 s9, $0xF7A;
	s5 =	simm.s32 @!p2 $0x0  }
0x1d: {  	s5 =	simm.s32 @p1 $0x1;
	p0 =	seq.s32 s7, s2  }
0x1e: {  	s7 =	smul.u32 @!p0 $0xF7A, s2;
	p2 =	seq.s32 @!p0 s5, $0x0  }
0x1f: {  	s9 =	smul.u32 $0xF7A, s1;
	s8 =	simm.s32 @!p0 $0x1BF5;
	p2 =	por !p2, p0  }
0x20: {  	[sflag:s8] =	ssyncset.s32 @!p0 $0xFFFFF086;
	s6 =	sadd.s32 @!p0 s3, s7;
	s7 =	simm.s32 @!p0 $0x108  }
0x21: {  	s3 =	sadd.s32 s3, s9;
	s6 =	sadd.s32 @!p0 $0x88, s6;
	s7 =	simm.s32 @p2 $0x1082  }
0x22: {  	[simem:s7], [sflag:s8] =	dma.local @!p0 [hbm:s6], $0xF7A  }
0x23: {  	s9 =	sor.u32 $0xD0000000, s2;
	s6 =	simm.s32 $0x108;
	_ =	swait.ge @!p0 [sflag:s8], $0x0  }
0x24: {  	s3 =	sadd.s32 $0x88, s3;
	s6 =	simm.s32 @!p1 $0x1082;
	[sflag:s4] =	ssyncset.s32 $0xFFFFF086  }
0x25: {  	[simem:s6], [sflag:s4] =	dma.local [hbm:s3], $0xF7A  }
0x26: {  	[smem:$0x3F91] =	sst s1;
	(tag) =	ssettag s2;
	_ =	strace s9  }
0x27: {  	s1 =	sld [smem:$0x3FA1]  }
0x28: {  	s2 =	sld [smem:$0x3FA2]  }
0x29: {  	s4 =	sld [smem:$0x3FA4]  }
0x2a: {  	p0 =	seq.s32 s5, $0x0;
	s5 =	sld [smem:$0x3FA5]  }
0x2b: {  	s6 =	sld [smem:$0x3FA6]  }
0x2c: {  	s7 =	sld [smem:$0x3FA7]  }
0x2d: {  	s3 =	simm.s32 $0x108;
	s8 =	sld [smem:$0x3FA8]  }
0x2e: {  	s3 =	simm.s32 @!p0 $0x1082;
	s9 =	sld [smem:$0x3FA9]  }
0x2f: {  	lr =	sadd.s32 s0, s3;
	s0 =	sld [smem:$0x3FA0]  }
0x30: {  	s3 =	sld [smem:$0x3FA3]  }
0x31: {  	[smem:$0x3FAC] =	sst s10  }
0x32: {  	s10 =	sld [smem:$0x3FAA];
	_ =	sdelay $0x3  }
0x33: {  	p0 =	seq.s32 s10, $0x1;
	s10 =	sld [smem:$0x3FAC];
	_ =	sdelay $0x3  }
0x34: {  	[smem:$0x3FAC] =	sst s10  }
0x35: {  	s10 =	sld [smem:$0x3FAB];
	_ =	sdelay $0x3  }
0x36: {  	p1 =	seq.s32 s10, $0x1;
	s10 =	sld [smem:$0x3FAC];
	_ =	sdelay $0x3  }
0x37: {  	[smem:$0x3FAC] =	sst s10  }
0x38: {  	s10 =	sld [smem:$0x3FAD]  }
0x39: {  	_ = 	snop;
	(pc) =	sbr.ind lr, $3  }
0x3a: {  	_ = 	snop  }
0x3b: {  	_ = 	snop  }
0x3c: {  	p2 =	seq.s32 s10, $0x1;
	s10 =	sld [smem:$0x3FAC]  }
0x3d: {  	_ =	shalt  }
0x3e: {  	_ =	shalt  }
0x3f: {  	_ =	shalt  }
0x40: {  	_ =	shalt  }
0x41: {  	_ =	shalt  }
0x42: {  	_ =	shalt  }
0x43: {  	_ =	shalt  }
0x44: {  	_ =	shalt  }
0x45: {  	_ =	shalt  }
0x46: {  	_ =	shalt  }
0x47: {  	_ =	shalt  }
0x48: {  	_ =	shalt  }
0x49: {  	_ =	shalt  }
0x4a: {  	_ =	shalt  }
0x4b: {  	_ =	shalt  }
0x4c: {  	_ =	shalt  }
0x4d: {  	_ =	shalt  }
0x4e: {  	_ =	shalt  }
0x4f: {  	_ =	shalt  }
0x50: {  	_ =	shalt  }
0x51: {  	_ =	shalt  }
0x52: {  	_ =	shalt  }
0x53: {  	_ =	shalt  }
0x54: {  	_ =	shalt  }
0x55: {  	_ =	shalt  }
0x56: {  	_ =	shalt  }
0x57: {  	_ =	shalt  }
0x58: {  	_ =	shalt  }
0x59: {  	_ =	shalt  }
0x5a: {  	_ =	shalt  }
0x5b: {  	_ =	shalt  }
0x5c: {  	_ =	shalt  }
0x5d: {  	_ =	shalt  }
0x5e: {  	_ =	shalt  }
0x5f: {  	_ =	shalt  }
0x60: {  	_ =	shalt  }
0x61: {  	_ =	shalt  }
0x62: {  	_ =	shalt  }
0x63: {  	_ =	shalt  }
0x64: {  	_ =	shalt  }
0x65: {  	_ =	shalt  }
0x66: {  	_ =	shalt  }
0x67: {  	_ =	shalt  }
0x68: {  	_ =	shalt  }
0x69: {  	_ =	shalt  }
0x6a: {  	_ =	shalt  }
0x6b: {  	_ =	shalt  }
0x6c: {  	_ =	shalt  }
0x6d: {  	_ =	shalt  }
0x6e: {  	_ =	shalt  }
0x6f: {  	_ =	shalt  }
0x70: {  	_ =	shalt  }
0x71: {  	_ =	shalt  }
0x72: {  	_ =	shalt  }
0x73: {  	_ =	shalt  }
0x74: {  	_ =	shalt  }
0x75: {  	_ =	shalt  }
0x76: {  	_ =	shalt  }
0x77: {  	_ =	shalt  }
0x78: {  	_ =	shalt  }
0x79: {  	_ =	shalt  }
0x7a: {  	_ =	shalt  }
0x7b: {  	_ =	shalt  }
0x7c: {  	_ =	shalt  }
0x7d: {  	_ =	shalt  }
0x7e: {  	_ =	shalt  }
0x7f: {  	_ =	shalt  }
0x80: {  	_ =	shalt  }
0x81: {  	_ =	shalt  }
0x82: {  	_ =	shalt  }
0x83: {  	_ =	shalt  }
0x84: {  	_ =	shalt  }
0x85: {  	_ =	shalt  }
0x86: {  	_ =	shalt  }
0x87: {  	_ =	shalt  }
.Lfunc_end0:
.L_simem_size_0:
called_computation.2_lowered:
.L_overlay_start_0:
0x88: {  	s2 =	sld [smem:$0x3FD9]  }
0x89: {  	s3 =	sld [smem:$0x3FFE];
	_ =	sdelay $0x1  }
0x8a: {  	s1 =	srdreg.scid  }
0x8b: {  	s0 =	sand.u32 $0x1, s1  }
0x8c: {  	s16 =	sshll.u32 s0, $0xA;
	s2 =	sadd.s32 s3, s2  }
0x8d: {  	s2 =	sadd.s32 s2, s16  }
0x8e: {  	[smem:$0x3FB8] =	sst s2  }
0x8f: {  	_ = 	snop  }
0x90: {  	(tm) =	ssettm $0x1  }
0x91: {  	s17 =	sld [smem:$0x3FFB];
	_ =	sdelay $0x3  }
0x92: {  	_ =	strace s17  }
0x93: {  	s2 =	sld [smem:$0x3FFC];
	_ =	sdelay $0x3  }
0x94: {  	_ =	strace s2  }
0x95: {  	s2 =	sld [smem:$0x3FFD];
	_ =	sdelay $0x3  }
0x96: {  	_ =	strace s2  }
0x97: {  	_ =	strace $0x8FFFFFFF  }
0x98: {  	s18 =	sld [smem:$0x3FDB];
	_ =	sdelay $0x1  }
0x99: {  	s19 =	simm.s32 $_scs_section_size  }
0x9a: {  	s4 =	simm.s32 $_size__tile_overlayer_lowered;
	s5 =	simm.s32 $_tile_overlayer_lowered  }
0x9b: {  	s22 =	simm.s32 $0x1BFF;
	s21 =	sshll.u32 s5, $0x1;
	s2 =	sadd.s32 s19, s18  }
0x9c: {  	s6 =	simm.s32 $0x0;
	s20 =	sshll.u32 s4, $0x1;
	s4 =	sadd.s32 s21, s2  }
0x9d: {  	[timem:s6], [sflag:s22] =	dma.local [hbm:s4], s20  }
0x9e: {  	_ =	swait.ge [sflag:s22], s20  }
0x9f: {  	s3 =	ssub.s32 $0x0, s20;
	[sflag:s22] =	ssyncset.done $0x0  }
0xa0: {  	[sflag:s22] =	ssyncadd.s32 s3;
	_ =	sdelay $0x1  }
0xa1: {  	s23 =	simm.s32 $0x1B8B  }
0xa2: {  	_ =	swait.ge [sflag:s23], $0x1  }
0xa3: {  	[sflag:s23] =	ssyncset.done $0x0  }
0xa4: {  	s25 =	simm.s32 $0x1B8E;
	s24 =	sld [smem:$0x3FFE];
	[sflag:s23] =	ssyncadd.s32 $0xFFFFFFFF  }
0xa5: {  	s26 =	simm.s32 $execute0_lowered;
	[smem:$0x3FD2] =	sst s25  }
0xa6: {  	s4 =	sshll.u32 s26, $0x1;
	_ =	strace $0x8000004C;
	[dreg:$0x1] =	wrdreg $0xFFFFFFFF  }
0xa7: {  	s28 =	simm.s32 $_size_execute0_lowered;
	s2 =	sadd.s32 s2, s4;
	[dreg:$0x0] =	wrdreg $0x0  }
0xa8: {  	s4 =	sshll.u32 s28, $0x1;
	[dreg:$0x2] =	wrdreg s2  }
0xa9: {  	[dreg:$0x3] =	wrdreg s4  }
0xaa: {  	[dreg:$0x4] =	wrdreg $0xC0  }
0xab: {  	_ =	task [dreg:s6], $0x5FFFF  }
0xac: {  	[dreg:$0x1] =	wrdreg $0xFFFFFFFF  }
0xad: {  	[dreg:$0x0] =	wrdreg $0x60  }
0xae: {  	[dreg:$0x2] =	wrdreg s24  }
0xaf: {  	[dreg:$0x3] =	wrdreg $0x9  }
0xb0: {  	_ =	task.clear_ibuf [dreg:s6], $0x4FFFF;
	_ =	strace $0x9000004C  }
0xb1: {  	s29 =	simm.s32 $0x9;
	_ =	strace $0x8000004E  }
0xb2: {  	_ =	swait.ge [sflag:s29], $0x1  }
0xb3: {  	[sflag:s29] =	ssyncadd.s32 $0xFFFFFFFF  }
0xb4: {  	_ =	strace $0x9000004E  }
0xb5: {  	_ =	sfence  }
0xb6: {  	s30 =	sld [smem:$0x0];
	_ =	sdelay $0x2  }
0xb7: {  	s31 =	sshll.u32 s1, $0xD;
	s1 =	sshrl.u32 s1, $0x2  }
0xb8: {  	s3 =	sand.u32 $0x4000, s31;
	s1 =	sadd.s32 s1, s30  }
0xb9: {  	s0 =	sor.u32 s3, s0;
	s1 =	sshll.u32 s1, $0x11  }
0xba: {  	s0 =	sor.u32 s1, s0  }
0xbb: {  	s0 =	sadd.s32 $0x8F2B, s0  }
0xbc: {  	[sflag:s0] =	ssyncadd.remote.s32 $0x1  }
0xbd: {  	_ =	sfence.sel $0xFFFF  }
0xbe: {  	[dreg:$0x0] =	wrdreg $0xFFFFFFFF;
	(pc) =	sbr.abs _section_cstart, $3  }
0xbf: {  	[dreg:$0x1] =	wrdreg $0xFFFFFFFF  }
0xc0: {  	_ =	task.clear_ibuf [dreg:s6], $0x2FFFF;
	_ =	strace $0x9FFFFFFF  }
0xc1: {  	(tm) =	ssettm $0x7FFFFFFF  }
tec
execute0_lowered:
.L_overlay_start_1:
0x0: {  	(tag) =	ssettag $0x1  }
0x1: {  	s1 =	srdreg.scid  }
0x2: {  	s0 =	stileid.u32;
	s9 =	rddreg [dreg:$0x0];
	s6 =	sand.u32 $0x1, s1  }
0x3: {  	s7 =	simm.s32 $0x80;
	s30 =	sshll.u32 s0, $0x6;
	s2 =	sshll.u32 s6, $0x5  }
0x4: {  	s8 =	simm.s32 $0x1;
	s1 =	rddreg [dreg:$0x1];
	s10 =	sor.u32 s2, s30  }
0x5: {  	s5 =	sadd.s32 $0x64A00, s9;
	s2 =	simm.s32 $0x0;
	s3 =	sshrl.u32 s10, $0x3  }
0x6: {  	s11 =	ssub.s32 $0x2, s6;
	[smem:$0x7FF] =	sst s2;
	s3 =	sadd.s32 s3, s9  }
0x7: {  	_ =	strace $0x8000004D;
	s4 =	sadd.s32 $0xB2E00, s3;
	s3 =	simm.s32 $0x2  }
0x8: {  	[tilespmem:s2], [sflag:$0x2] =	stream.linear.gather [hbm4b:s4+s2], $0x20, $0x38;
	[tilespmem:$0x1080] =	vst v63  }
0x9: {  	s6 =	simm.s32 $0x20;
	s12 =	sshrl.u32 s11, $0x1;
	_ =	swait.ge [sflag:s3], $0x20  }
0xa: {  	s10 =	sshll.u32 s10, $0x4;
	s31 =	ssub.s32 s11, s12;
	[sflag:s3] =	ssyncset.done $0x0  }
0xb: {  	s9 =	sadd.s32 s10, s9;
	s10 =	smax.u32 s31, $0x1;
	[sflag:s3] =	ssyncadd.s32 $0xFFFFFFE0  }
0xc: {  	[tilespmem:s7], [sflag:$0x1] =	stream.indirect.gather [hbm4b:s5+s6], $0x80, s2, s6, $0xb8;
	[tilespmem:$0x1080] =	vst v63  }
0xd: {  	p0 =	sne.s32 s10, $0x1;
	_ =	swait.ge [sflag:s8], $0x1000  }
.Ltmp0:
0xe: {  	[sflag:s8] =	ssyncset.done $0x0;
	(pc) =	sbr.rel @!p0 .LBB2_2-.Ltmp0, $4  }
0xf: {  	s9 =	sadd.s32 $0x2A00, s9;
	[sflag:s8] =	ssyncadd.s32 $0xFFFFF000  }
0x10: {  	[hbm4b:s9+s2] =	stream.linear.scatter [tilespmem:s7], [sflag:$0x2], $0x1000, $0x38;
	[tilespmem:$0x1080] =	vst v63  }
0x11: {  	_ =	swait.ge [sflag:s3], $0x1000  }
0x12: {  	s10 =	sadd.s32 $0xFFFFFFFF, s10;
	[sflag:s3] =	ssyncset.done $0x0  }
.LBB2_1:
0x13: {  	p0 =	sne.s32 s10, $0x1;
	s10 =	sadd.s32 $0xFFFFFFFF, s10;
	[sflag:s3] =	ssyncadd.s32 $0xFFFFF000  }
0x14: {  	[tilespmem:s2], [sflag:$0x2] =	stream.linear.gather [hbm4b:s4+s2], $0x20, $0x38;
	[tilespmem:$0x1080] =	vst v63  }
0x15: {  	_ =	swait.ge [sflag:s3], $0x20  }
0x16: {  	[sflag:s3] =	ssyncset.done $0x0  }
0x17: {  	[sflag:s3] =	ssyncadd.s32 $0xFFFFFFE0  }
0x18: {  	[tilespmem:s7], [sflag:$0x1] =	stream.indirect.gather [hbm4b:s5+s6], $0x80, s2, s6, $0xb8;
	[tilespmem:$0x1080] =	vst v63  }
0x19: {  	_ =	swait.ge [sflag:s8], $0x1000  }
.Ltmp1:
0x1a: {  	[sflag:s8] =	ssyncset.done $0x0;
	(pc) =	sbr.rel @p0 .LBB2_1-.Ltmp1, $4  }
0x1b: {  	[sflag:s8] =	ssyncadd.s32 $0xFFFFF000  }
0x1c: {  	[hbm4b:s9+s2] =	stream.linear.scatter [tilespmem:s7], [sflag:$0x2], $0x1000, $0x38;
	[tilespmem:$0x1080] =	vst v63  }
0x1d: {  	_ =	swait.ge [sflag:s3], $0x1000  }
0x1e: {  	[sflag:s3] =	ssyncset.done $0x0  }
.LBB2_2:
0x1f: {  	[sflag:s3] =	ssyncadd.s32 $0xFFFFF000  }
0x20: {  	_ =	sfence.sel $0x180000  }
0x21: {  	[bflag:$0x0] =	sbarrier.arrive $0xFFFF  }
0x22: {  	p0 =	sne.s32 s0, $0x0;
	_ =	strace $0x9000004D  }
0x23: {  	s0 =	sadd.s32 @!p0 $0x100000, s1;
	[bflag:$0x2] =	sbarrier.arrive $0xFFFF  }
0x24: {  	[sflag:s0] =	ssyncadd.tile.s32 @!p0 $0x1;
	_ =	shalt  }
.Lfunc_end2:
_tile_overlayer_lowered:
.L_overlay_start_2:
0x25: {  	(tag) =	ssettag $0x2  }
0x26: {  	s0 =	rddreg [dreg:$0x0];
	s2 =	stileid.u32  }
0x27: {  	s1 =	rddreg [dreg:$0x1];
	p0 =	sne.s32 s2, $0x0  }
0x28: {  	s3 =	rddreg [dreg:$0x2];
	[bflag:$0x3] =	sbarrier.arrive $0xFFFF;
	s2 =	simm.s32 @!p0 $0x1C02  }
0x29: {  	[timem:s3], [sflag:s2] =	dma.local @!p0 [hbm:s0], s1  }
0x2a: {  	s0 =	simm.s32 @!p0 $0x2  }
0x2b: {  	_ =	swait.ge @!p0 [sflag:s0], s1  }
0x2c: {  	s1 =	ssub.s32 @!p0 $0x0, s1;
	[sflag:s0] =	ssyncset.done @!p0 $0x0  }
0x2d: {  	[sflag:s0] =	ssyncadd.s32 @!p0 s1  }
0x2e: {  	[bflag:$0x3] =	sbarrier.arrive $0xFFFF  }
0x2f: {  	_ =	shalt  }

// kernel: kernel.7.cloned.1.call-start
scs
__scs_entry_jumppad:
0x0: {  	(pc) =	sbr.rel $0x88, $3  }
0x1: {  	(tag) =	ssettag $0x0;
	lr =	simm.s32 $0x1  }
0x2: {  	[smem:$0x3F91] =	sst lr;
	_ =	strace $0xD0000000  }
0x3: {  	_ = 	snop  }
0x4: {  	_ = 	snop  }
0x5: {  	_ = 	snop  }
0x6: {  	_ = 	snop  }
0x7: {  	_ = 	snop  }
__scs_overlays_trampoline_lowered:
0x8: {  	[smem:$0x3FA0] =	sst s0  }
0x9: {  	[smem:$0x3FA1] =	sst s1  }
0xa: {  	[smem:$0x3FA2] =	sst s2  }
0xb: {  	[smem:$0x3FA3] =	sst s3  }
0xc: {  	[smem:$0x3FA4] =	sst s4  }
0xd: {  	[smem:$0x3FA5] =	sst s5  }
0xe: {  	[smem:$0x3FA6] =	sst s6  }
0xf: {  	[smem:$0x3FA7] =	sst s7  }
0x10: {  	[smem:$0x3FA8] =	sst s8  }
0x11: {  	[smem:$0x3FA9] =	sst s9;
	s0 =	simm.s32 @!p0 $0x0  }
0x12: {  	s1 =	sld [smem:$0x3F8F];
	s0 =	simm.s32 @p0 $0x1  }
0x13: {  	[smem:$0x3FAA] =	sst s0;
	s0 =	simm.s32 @!p1 $0x0  }
0x14: {  	s2 =	sld [smem:$0x3F8E];
	s0 =	simm.s32 @p1 $0x1  }
0x15: {  	[smem:$0x3FAB] =	sst s0;
	s0 =	simm.s32 @!p2 $0x0  }
0x16: {  	s3 =	sld [smem:$0x3FDB];
	s0 =	simm.s32 @p2 $0x1  }
0x17: {  	s4 =	simm.s32 $0x1BF5;
	[smem:$0x3FAD] =	sst s0  }
0x18: {  	s0 =	sld [smem:$0x3F90];
	_ =	swait.ge [sflag:s4], $0x0  }
0x19: {  	s7 =	sld [smem:$0x3F91]  }
0x1a: {  	s8 =	sadd.s32 $0xFFFFE003, lr  }
0x1b: {  	s9 =	sadd.s32 $0xFFFFFEF7, lr;
	s5 =	simm.s32 $0xFFFFFFFF;
	p2 =	slt.u32 s8, $0xFFFFF086  }
0x1c: {  	p1 =	slt.u32 s9, $0xF7A;
	s5 =	simm.s32 @!p2 $0x0  }
0x1d: {  	s5 =	simm.s32 @p1 $0x1;
	p0 =	seq.s32 s7, s2  }
0x1e: {  	s7 =	smul.u32 @!p0 $0xF7A, s2;
	p2 =	seq.s32 @!p0 s5, $0x0  }
0x1f: {  	s9 =	smul.u32 $0xF7A, s1;
	s8 =	simm.s32 @!p0 $0x1BF5;
	p2 =	por !p2, p0  }
0x20: {  	[sflag:s8] =	ssyncset.s32 @!p0 $0xFFFFF086;
	s6 =	sadd.s32 @!p0 s3, s7;
	s7 =	simm.s32 @!p0 $0x108  }
0x21: {  	s3 =	sadd.s32 s3, s9;
	s6 =	sadd.s32 @!p0 $0x88, s6;
	s7 =	simm.s32 @p2 $0x1082  }
0x22: {  	[simem:s7], [sflag:s8] =	dma.local @!p0 [hbm:s6], $0xF7A  }
0x23: {  	s9 =	sor.u32 $0xD0000000, s2;
	s6 =	simm.s32 $0x108;
	_ =	swait.ge @!p0 [sflag:s8], $0x0  }
0x24: {  	s3 =	sadd.s32 $0x88, s3;
	s6 =	simm.s32 @!p1 $0x1082;
	[sflag:s4] =	ssyncset.s32 $0xFFFFF086  }
0x25: {  	[simem:s6], [sflag:s4] =	dma.local [hbm:s3], $0xF7A  }
0x26: {  	[smem:$0x3F91] =	sst s1;
	(tag) =	ssettag s2;
	_ =	strace s9  }
0x27: {  	s1 =	sld [smem:$0x3FA1]  }
0x28: {  	s2 =	sld [smem:$0x3FA2]  }
0x29: {  	s4 =	sld [smem:$0x3FA4]  }
0x2a: {  	p0 =	seq.s32 s5, $0x0;
	s5 =	sld [smem:$0x3FA5]  }
0x2b: {  	s6 =	sld [smem:$0x3FA6]  }
0x2c: {  	s7 =	sld [smem:$0x3FA7]  }
0x2d: {  	s3 =	simm.s32 $0x108;
	s8 =	sld [smem:$0x3FA8]  }
0x2e: {  	s3 =	simm.s32 @!p0 $0x1082;
	s9 =	sld [smem:$0x3FA9]  }
0x2f: {  	lr =	sadd.s32 s0, s3;
	s0 =	sld [smem:$0x3FA0]  }
0x30: {  	s3 =	sld [smem:$0x3FA3]  }
0x31: {  	[smem:$0x3FAC] =	sst s10  }
0x32: {  	s10 =	sld [smem:$0x3FAA];
	_ =	sdelay $0x3  }
0x33: {  	p0 =	seq.s32 s10, $0x1;
	s10 =	sld [smem:$0x3FAC];
	_ =	sdelay $0x3  }
0x34: {  	[smem:$0x3FAC] =	sst s10  }
0x35: {  	s10 =	sld [smem:$0x3FAB];
	_ =	sdelay $0x3  }
0x36: {  	p1 =	seq.s32 s10, $0x1;
	s10 =	sld [smem:$0x3FAC];
	_ =	sdelay $0x3  }
0x37: {  	[smem:$0x3FAC] =	sst s10  }
0x38: {  	s10 =	sld [smem:$0x3FAD]  }
0x39: {  	_ = 	snop;
	(pc) =	sbr.ind lr, $3  }
0x3a: {  	_ = 	snop  }
0x3b: {  	_ = 	snop  }
0x3c: {  	p2 =	seq.s32 s10, $0x1;
	s10 =	sld [smem:$0x3FAC]  }
0x3d: {  	_ =	shalt  }
0x3e: {  	_ =	shalt  }
0x3f: {  	_ =	shalt  }
0x40: {  	_ =	shalt  }
0x41: {  	_ =	shalt  }
0x42: {  	_ =	shalt  }
0x43: {  	_ =	shalt  }
0x44: {  	_ =	shalt  }
0x45: {  	_ =	shalt  }
0x46: {  	_ =	shalt  }
0x47: {  	_ =	shalt  }
0x48: {  	_ =	shalt  }
0x49: {  	_ =	shalt  }
0x4a: {  	_ =	shalt  }
0x4b: {  	_ =	shalt  }
0x4c: {  	_ =	shalt  }
0x4d: {  	_ =	shalt  }
0x4e: {  	_ =	shalt  }
0x4f: {  	_ =	shalt  }
0x50: {  	_ =	shalt  }
0x51: {  	_ =	shalt  }
0x52: {  	_ =	shalt  }
0x53: {  	_ =	shalt  }
0x54: {  	_ =	shalt  }
0x55: {  	_ =	shalt  }
0x56: {  	_ =	shalt  }
0x57: {  	_ =	shalt  }
0x58: {  	_ =	shalt  }
0x59: {  	_ =	shalt  }
0x5a: {  	_ =	shalt  }
0x5b: {  	_ =	shalt  }
0x5c: {  	_ =	shalt  }
0x5d: {  	_ =	shalt  }
0x5e: {  	_ =	shalt  }
0x5f: {  	_ =	shalt  }
0x60: {  	_ =	shalt  }
0x61: {  	_ =	shalt  }
0x62: {  	_ =	shalt  }
0x63: {  	_ =	shalt  }
0x64: {  	_ =	shalt  }
0x65: {  	_ =	shalt  }
0x66: {  	_ =	shalt  }
0x67: {  	_ =	shalt  }
0x68: {  	_ =	shalt  }
0x69: {  	_ =	shalt  }
0x6a: {  	_ =	shalt  }
0x6b: {  	_ =	shalt  }
0x6c: {  	_ =	shalt  }
0x6d: {  	_ =	shalt  }
0x6e: {  	_ =	shalt  }
0x6f: {  	_ =	shalt  }
0x70: {  	_ =	shalt  }
0x71: {  	_ =	shalt  }
0x72: {  	_ =	shalt  }
0x73: {  	_ =	shalt  }
0x74: {  	_ =	shalt  }
0x75: {  	_ =	shalt  }
0x76: {  	_ =	shalt  }
0x77: {  	_ =	shalt  }
0x78: {  	_ =	shalt  }
0x79: {  	_ =	shalt  }
0x7a: {  	_ =	shalt  }
0x7b: {  	_ =	shalt  }
0x7c: {  	_ =	shalt  }
0x7d: {  	_ =	shalt  }
0x7e: {  	_ =	shalt  }
0x7f: {  	_ =	shalt  }
0x80: {  	_ =	shalt  }
0x81: {  	_ =	shalt  }
0x82: {  	_ =	shalt  }
0x83: {  	_ =	shalt  }
0x84: {  	_ =	shalt  }
0x85: {  	_ =	shalt  }
0x86: {  	_ =	shalt  }
0x87: {  	_ =	shalt  }
.Lfunc_end0:
.L_simem_size_0:
called_computation_lowered:
.L_overlay_start_0:
0x88: {  	s2 =	sld [smem:$0x3FD9]  }
0x89: {  	s3 =	sld [smem:$0x3FFE];
	_ =	sdelay $0x1  }
0x8a: {  	s1 =	srdreg.scid  }
0x8b: {  	s0 =	sand.u32 $0x1, s1  }
0x8c: {  	s17 =	sshll.u32 s0, $0xA;
	s2 =	sadd.s32 s3, s2  }
0x8d: {  	s2 =	sadd.s32 s2, s17  }
0x8e: {  	[smem:$0x3FB8] =	sst s2  }
0x8f: {  	_ = 	snop  }
0x90: {  	s2 =	sld [smem:$0x3FC9];
	(tm) =	ssettm $0x1  }
0x91: {  	s18 =	sld [smem:$0x3FFB];
	_ =	sdelay $0x3  }
0x92: {  	_ =	strace s18  }
0x93: {  	s3 =	sld [smem:$0x3FFC];
	_ =	sdelay $0x3  }
0x94: {  	_ =	strace s3  }
0x95: {  	s3 =	sld [smem:$0x3FFD];
	_ =	sdelay $0x3  }
0x96: {  	_ =	strace s3  }
0x97: {  	_ =	strace $0x8FFFFFFF  }
0x98: {  	s19 =	sld [smem:$0x3FDB];
	_ =	sdelay $0x1  }
0x99: {  	s4 =	simm.s32 $_scs_section_size  }
0x9a: {  	s5 =	simm.s32 $_size__tile_overlayer_lowered;
	s6 =	simm.s32 $_tile_overlayer_lowered  }
0x9b: {  	s22 =	simm.s32 $0x1BFF;
	s21 =	sshll.u32 s6, $0x1;
	s3 =	sadd.s32 s4, s19  }
0x9c: {  	s7 =	simm.s32 $0x0;
	s20 =	sshll.u32 s5, $0x1;
	s5 =	sadd.s32 s21, s3  }
0x9d: {  	[timem:s7], [sflag:s22] =	dma.local [hbm:s5], s20  }
0x9e: {  	_ =	swait.ge [sflag:s22], s20  }
0x9f: {  	s4 =	ssub.s32 $0x0, s20;
	[sflag:s22] =	ssyncset.done $0x0  }
0xa0: {  	[sflag:s22] =	ssyncadd.s32 s4;
	_ =	sdelay $0x1  }
0xa1: {  	s23 =	simm.s32 $0x1B8B  }
0xa2: {  	_ =	swait.ge [sflag:s23], $0x1  }
0xa3: {  	[sflag:s23] =	ssyncset.done $0x0  }
0xa4: {  	s25 =	simm.s32 $0x1B8E;
	s24 =	sld [smem:$0x3FFE];
	[sflag:s23] =	ssyncadd.s32 $0xFFFFFFFF  }
0xa5: {  	s26 =	simm.s32 $execute0_lowered;
	[smem:$0x3FD2] =	sst s25  }
0xa6: {  	s5 =	sshll.u32 s26, $0x1;
	_ =	strace $0x80000046;
	[dreg:$0x1] =	wrdreg $0xFFFFFFFF  }
0xa7: {  	s28 =	simm.s32 $_size_execute0_lowered;
	s3 =	sadd.s32 s3, s5;
	[dreg:$0x0] =	wrdreg $0x0  }
0xa8: {  	s5 =	sshll.u32 s28, $0x1;
	[dreg:$0x2] =	wrdreg s3  }
0xa9: {  	[dreg:$0x3] =	wrdreg s5  }
0xaa: {  	[dreg:$0x4] =	wrdreg $0xC0  }
0xab: {  	_ =	task [dreg:s7], $0x5FFFF  }
0xac: {  	[dreg:$0x1] =	wrdreg $0xFFFFFFFF  }
0xad: {  	[dreg:$0x0] =	wrdreg $0x60  }
0xae: {  	[dreg:$0x2] =	wrdreg s2  }
0xaf: {  	[dreg:$0x3] =	wrdreg s24  }
0xb0: {  	[dreg:$0x4] =	wrdreg $0x0  }
0xb1: {  	[dreg:$0x5] =	wrdreg $0x9  }
0xb2: {  	_ =	task.clear_ibuf [dreg:s7], $0x6FFFF;
	_ =	strace $0x90000046  }
0xb3: {  	s29 =	simm.s32 $0x9;
	_ =	strace $0x80000048  }
0xb4: {  	_ =	swait.ge [sflag:s29], $0x1  }
0xb5: {  	[sflag:s29] =	ssyncadd.s32 $0xFFFFFFFF  }
0xb6: {  	_ =	strace $0x90000048  }
0xb7: {  	_ =	sfence  }
0xb8: {  	s30 =	sld [smem:$0x0];
	_ =	sdelay $0x2  }
0xb9: {  	s31 =	sshll.u32 s1, $0xD;
	s1 =	sshrl.u32 s1, $0x2  }
0xba: {  	s3 =	sand.u32 $0x4000, s31;
	s1 =	sadd.s32 s1, s30  }
0xbb: {  	s0 =	sor.u32 s3, s0;
	s1 =	sshll.u32 s1, $0x11  }
0xbc: {  	s0 =	sor.u32 s1, s0  }
0xbd: {  	s0 =	sadd.s32 $0x8F2B, s0  }
0xbe: {  	[sflag:s0] =	ssyncadd.remote.s32 $0x1  }
0xbf: {  	_ =	sfence.sel $0xFFFF  }
0xc0: {  	[dreg:$0x0] =	wrdreg $0xFFFFFFFF;
	(pc) =	sbr.abs _section_cstart, $3  }
0xc1: {  	[dreg:$0x1] =	wrdreg $0xFFFFFFFF  }
0xc2: {  	_ =	task.clear_ibuf [dreg:s7], $0x2FFFF;
	_ =	strace $0x9FFFFFFF  }
0xc3: {  	(tm) =	ssettm $0x7FFFFFFF  }
tec
execute0_lowered:
.L_overlay_start_1:
0x0: {  	(tag) =	ssettag $0x1  }
0x1: {  	s1 =	rddreg [dreg:$0x0]  }
0x2: {  	s0 =	rddreg [dreg:$0x1]  }
0x3: {  	s3 =	rddreg [dreg:$0x2];
	s4 =	simm.s32 $0x0  }
0x4: {  	s2 =	stileid.u32;
	s5 =	srdreg.scid;
	s28 =	simm.s32 $0x1A080  }
0x5: {  	s29 =	simm.s32 $0x16000;
	s30 =	simm.s32 $0x3;
	s31 =	simm.s32 $0x5  }
0x6: {  	s6 =	smul.u32 $0x2700, s2;
	s8 =	sand.u32 $0x1, s5;
	s24 =	sshll.u32 s2, $0x1  }
0x7: {  	[smem:$0x7FF] =	sst s4;
	s11 =	sadd.s32 $0xC800, s0;
	s25 =	smul.u32 $0x4E000, s2  }
0x8: {  	s14 =	sadd.s32 $0x3D800, s0;
	p2 =	seq.s32 s2, $0xF;
	s17 =	sadd.s32 $0x27000, s1  }
0x9: {  	s18 =	smul.u32 $0x13800, s2;
	p4 =	sne.s32 s2, $0xF;
	s5 =	sor.u32 s8, s24  }
0xa: {  	_ =	strace $0x80000047;
	s10 =	ssub.s32 $0x2, s8;
	s16 =	smul.u32 $0x138800, s8  }
0xb: {  	p0 =	seq.s32 s8, $0x0;
	[dreg:$0x7] =	wrdreg s17;
	s20 =	smul.u32 $0x2710, s8  }
0xc: {  	p3 =	sne.s32 s8, $0x0;
	s9 =	sadd.s32 s6, s0;
	s7 =	smul.u32 $0x2710, s5  }
0xd: {  	s5 =	sadd.s32 $0x2A00, s0;
	s12 =	sshrl.u32 s10, $0x1;
	s6 =	sadd.s32 s1, s6  }
0xe: {  	p1 =	por !p0, !p2;
	p0 =	seq.s32 s8, $0x1;
	s0 =	sadd.s32 $0x3D600, s0  }
0xf: {  	s8 =	simm.s32 $0x1E080;
	s12 =	ssub.s32 s10, s12;
	[dreg:$0x5] =	wrdreg s6  }
0x10: {  	s15 =	sadd.s32 $0x16600, s9;
	p1 =	por !p1, !p1;
	s10 =	sadd.s32 $0x138000, s3  }
0x11: {  	p2 =	por !p2, !p0;
	[dreg:$0x8] =	wrdreg s0;
	s21 =	sadd.s32 s18, s16  }
0x12: {  	s6 =	sshrl.u32 s16, $0x3;
	s9 =	simm.s32 $0x1E100;
	s13 =	sshrl.u32 s7, $0x3  }
0x13: {  	s7 =	sshrl.u32 s25, $0x2;
	[dreg:$0x6] =	wrdreg s15;
	p2 =	por !p2, !p2  }
0x14: {  	s15 =	smul.u32 $0x4E20, s2;
	s6 =	sadd.s32 s14, s6;
	s25 =	smax.u32 s12, $0x1  }
0x15: {  	s12 =	simm.s32 $0x1E180;
	s26 =	sadd.s32 s11, s13;
	s7 =	sadd.s32 s7, s3  }
0x16: {  	s19 =	sadd.s32 $0x4E0, s13;
	s13 =	sadd.s32 s5, s13;
	s23 =	sadd.s32 $0x27000, s6  }
0x17: {  	[dreg:$0xd] =	wrdreg s25;
	s25 =	simm.s32 $0x16080;
	s6 =	simm.s32 $0x2  }
0x18: {  	[dreg:$0x4] =	wrdreg s26;
	s11 =	sadd.s32 s11, s19;
	s0 =	sadd.s32 s5, s19  }
0x19: {  	s22 =	sadd.s32 s20, s15;
	[dreg:$0xc] =	wrdreg s23;
	s19 =	smov.u32 s13  }
0x1a: {  	s26 =	sadd.s32 $0x4D0, s13;
	s23 =	simm.s32 $0x1;
	[dreg:$0x9] =	wrdreg s11  }
0x1b: {  	[dreg:$0xa] =	wrdreg s0;
	s0 =	sshrl.u32 s21, $0x3;
	s24 =	sadd.s32 $0x80, s22  }
0x1c: {  	[dreg:$0xe] =	wrdreg s26;
	s16 =	sadd.s32 $0x100, s22;
	s22 =	simm.s32 $0x13880  }
0x1d: {  	s26 =	simm.s32 $0x15F80;
	s11 =	simm.s32 $0x10;
	s0 =	sadd.s32 s14, s0  }
0x1e: {  	s14 =	simm.s32 $0x0;
	[dreg:$0xb] =	wrdreg s0;
	s0 =	sshrl.u32 s24, $0x3  }
0x1f: {  	s24 =	simm.s32 $0x80;
	s20 =	sadd.s32 s0, s5;
	s0 =	simm.s32 $0x4  }
.LBB2_1:
0x20: {  	s13 =	rddreg [dreg:$0x4]  }
0x21: {  	[tilespmem:s22], [sflag:$0x1] =	stream.linear.gather [hbm4b:s13+s4], $0x2700, $0x38;
	[tilespmem:$0x1E980] =	vst v63  }
0x22: {  	s13 =	sshll.u32 @!p3 s2, $0x6  }
0x23: {  	s15 =	sshrl.u32 @!p3 s7, $0x3;
	s17 =	rddreg [dreg:$0x5];
	s13 =	sor.u32 @!p3 $0x1C05, s13  }
0x24: {  	[spmem:s15], [sflag:s13] =	dma.local @!p3 [hbm:s17], $0x2700  }
0x25: {  	s13 =	simm.s32 @!p3 $0x5  }
0x26: {  	_ =	swait.ge @!p3 [sflag:s13], $0x2700  }
0x27: {  	s15 =	sshll.u32 @p0 s2, $0x6;
	[sflag:s13] =	ssyncset.done @!p3 $0x0;
	s17 =	rddreg [dreg:$0x6]  }
0x28: {  	[sflag:s13] =	ssyncadd.s32 @!p3 $0xFFFFD900;
	s13 =	sor.u32 @p0 $0x1C05, s15;
	s15 =	sshrl.u32 @p0 s7, $0x3  }
0x29: {  	[spmem:s15], [sflag:s13] =	dma.local @p0 [hbm:s17], $0x2700  }
0x2a: {  	s13 =	simm.s32 @p0 $0x5  }
0x2b: {  	_ =	swait.ge @p0 [sflag:s13], $0x2700  }
0x2c: {  	s15 =	simm.s32 @p1 $0x1FC5;
	[sflag:s13] =	ssyncset.done @p0 $0x0  }
0x2d: {  	s17 =	rddreg [dreg:$0x7];
	[sflag:s13] =	ssyncadd.s32 @p0 $0xFFFFD900;
	s13 =	sshrl.u32 @p1 s10, $0x3  }
0x2e: {  	[spmem:s13], [sflag:s15] =	dma.local @p1 [hbm:s17], $0x100  }
0x2f: {  	s13 =	simm.s32 @p1 $0x5  }
0x30: {  	_ =	swait.ge @p1 [sflag:s13], $0x100  }
0x31: {  	s15 =	simm.s32 @p2 $0x1FC5;
	[sflag:s13] =	ssyncset.done @p1 $0x0  }
0x32: {  	s17 =	rddreg [dreg:$0x8];
	[sflag:s13] =	ssyncadd.s32 @p1 $0xFFFFFF00;
	s13 =	sshrl.u32 @p2 s10, $0x3  }
0x33: {  	[spmem:s13], [sflag:s15] =	dma.local @p2 [hbm:s17], $0x100  }
0x34: {  	s13 =	simm.s32 @p2 $0x5  }
0x35: {  	_ =	swait.ge @p2 [sflag:s13], $0x100  }
0x36: {  	[sflag:s13] =	ssyncset.done @p2 $0x0  }
0x37: {  	[sflag:s13] =	ssyncadd.s32 @p2 $0xFFFFFF00  }
0x38: {  	_ =	swait.ge [sflag:s23], $0x2700  }
0x39: {  	[sflag:s23] =	ssyncset.done $0x0  }
0x3a: {  	[sflag:s23] =	ssyncadd.s32 $0xFFFFD900  }
0x3b: {  	[bflag:$0x0] =	sbarrier.arrive $0xFFFF  }
0x3c: {  	[tilespmem:s25], [sflag:$0x3] =	stream.indirect.gather [hbm4b:s1+s24], $0x80, s22, s24, $0xb8;
	[tilespmem:$0x1E980] =	vst v63  }
0x3d: {  	_ = 	snop  }
0x3e: {  	[tilespmem:s26], [sflag:$0x1] =	stream.linear.gather [hbm4b:s19+s4], $0x80, $0x38;
	[tilespmem:$0x1E980] =	vst v63  }
0x3f: {  	s15 =	simm.s32 $0x13900  }
0x40: {  	[tilespmem:s28], [sflag:$0x4] =	stream.indirect.gather [hbm4b:s1+s24], $0x80, s15, s24, $0xb8;
	[tilespmem:$0x1E980] =	vst v63  }
0x41: {  	s17 =	sadd.s32 $0x0, s20  }
0x42: {  	[tilespmem:s29], [sflag:$0x2] =	stream.linear.gather [hbm4b:s17+s4], $0x80, $0x38;
	[tilespmem:$0x1E980] =	vst v63  }
0x43: {  	_ =	swait.ge [sflag:s30], $0x4000  }
0x44: {  	[sflag:s30] =	ssyncset.done $0x0  }
0x45: {  	[sflag:s30] =	ssyncadd.s32 $0xFFFFC000  }
0x46: {  	_ =	swait.ge [sflag:s23], $0x80  }
0x47: {  	[sflag:s23] =	ssyncset.done $0x0  }
0x48: {  	[sflag:s23] =	ssyncadd.s32 $0xFFFFFF80  }
0x49: {  	[spmem:s3] =	stream.indirect.scatter.add.f32 [tilespmem:s25], [sflag:$0x5], $0x80, s26, s24, $0xb8;
	[tilespmem:$0x1E980] =	vst v63  }
0x4a: {  	_ =	swait.ge [sflag:s31], $0x4000  }
0x4b: {  	[sflag:s31] =	ssyncset.done $0x0  }
0x4c: {  	s18 =	simm.s32 $0x13980;
	s21 =	sshrl.u32 s16, $0x3;
	[sflag:s31] =	ssyncadd.s32 $0xFFFFC000  }
0x4d: {  	[tilespmem:s25], [sflag:$0x3] =	stream.indirect.gather [hbm4b:s1+s24], $0x80, s18, s24, $0xb8;
	[tilespmem:$0x1E980] =	vst v63  }
0x4e: {  	s21 =	sadd.s32 s5, s21  }
0x4f: {  	[tilespmem:s26], [sflag:$0x1] =	stream.linear.gather [hbm4b:s21+s4], $0x80, $0x38;
	[tilespmem:$0x1E980] =	vst v63  }
0x50: {  	_ =	swait.ge [sflag:s0], $0x4000  }
0x51: {  	[sflag:s0] =	ssyncset.done $0x0  }
0x52: {  	[sflag:s0] =	ssyncadd.s32 $0xFFFFC000  }
0x53: {  	_ =	swait.ge [sflag:s6], $0x80  }
0x54: {  	[sflag:s6] =	ssyncset.done $0x0  }
0x55: {  	[sflag:s6] =	ssyncadd.s32 $0xFFFFFF80  }
0x56: {  	[spmem:s3] =	stream.indirect.scatter.add.f32 [tilespmem:s28], [sflag:$0x5], $0x80, s29, s24, $0xb8;
	[tilespmem:$0x1E980] =	vst v63  }
0x57: {  	_ =	swait.ge [sflag:s31], $0x4000  }
0x58: {  	s13 =	simm.s32 $0x20;
	s21 =	smov.u32 s16;
	[sflag:s31] =	ssyncset.done $0x0  }
.LBB2_2:
0x59: {  	[sflag:s31] =	ssyncadd.s32 $0xFFFFC000;
	s15 =	sadd.s32 $0x100, s15;
	s21 =	sadd.s32 $0x100, s21  }
0x5a: {  	[tilespmem:s28], [sflag:$0x4] =	stream.indirect.gather [hbm4b:s1+s24], $0x80, s15, s24, $0xb8;
	[tilespmem:$0x1E980] =	vst v63  }
0x5b: {  	s17 =	sadd.s32 s13, s20;
	p5 =	sne.s32 s13, $0x4A0;
	s13 =	sadd.s32 $0x20, s13  }
0x5c: {  	[tilespmem:s29], [sflag:$0x2] =	stream.linear.gather [hbm4b:s17+s4], $0x80, $0x38;
	[tilespmem:$0x1E980] =	vst v63  }
0x5d: {  	_ =	swait.ge [sflag:s30], $0x4000  }
0x5e: {  	[sflag:s30] =	ssyncset.done $0x0  }
0x5f: {  	[sflag:s30] =	ssyncadd.s32 $0xFFFFC000  }
0x60: {  	_ =	swait.ge [sflag:s23], $0x80  }
0x61: {  	[sflag:s23] =	ssyncset.done $0x0  }
0x62: {  	[sflag:s23] =	ssyncadd.s32 $0xFFFFFF80  }
0x63: {  	[spmem:s3] =	stream.indirect.scatter.add.f32 [tilespmem:s25], [sflag:$0x5], $0x80, s26, s24, $0xb8;
	[tilespmem:$0x1E980] =	vst v63  }
0x64: {  	_ =	swait.ge [sflag:s31], $0x4000  }
0x65: {  	[sflag:s31] =	ssyncset.done $0x0  }
0x66: {  	s18 =	sshrl.u32 s21, $0x3;
	s17 =	sadd.s32 $0x80, s15;
	[sflag:s31] =	ssyncadd.s32 $0xFFFFC000  }
0x67: {  	[tilespmem:s25], [sflag:$0x3] =	stream.indirect.gather [hbm4b:s1+s24], $0x80, s17, s24, $0xb8;
	[tilespmem:$0x1E980] =	vst v63  }
0x68: {  	s17 =	sadd.s32 s5, s18  }
0x69: {  	[tilespmem:s26], [sflag:$0x1] =	stream.linear.gather [hbm4b:s17+s4], $0x80, $0x38;
	[tilespmem:$0x1E980] =	vst v63  }
0x6a: {  	_ =	swait.ge [sflag:s0], $0x4000  }
0x6b: {  	[sflag:s0] =	ssyncset.done $0x0  }
0x6c: {  	[sflag:s0] =	ssyncadd.s32 $0xFFFFC000  }
0x6d: {  	_ =	swait.ge [sflag:s6], $0x80  }
.Ltmp0:
0x6e: {  	[sflag:s6] =	ssyncset.done $0x0;
	(pc) =	sbr.rel @p5 .LBB2_2-.Ltmp0, $4  }
0x6f: {  	[sflag:s6] =	ssyncadd.s32 $0xFFFFFF80  }
0x70: {  	[spmem:s3] =	stream.indirect.scatter.add.f32 [tilespmem:s28], [sflag:$0x5], $0x80, s29, s24, $0xb8;
	[tilespmem:$0x1E980] =	vst v63  }
0x71: {  	_ =	swait.ge [sflag:s31], $0x4000  }
0x72: {  	[sflag:s31] =	ssyncset.done $0x0  }
0x73: {  	[sflag:s31] =	ssyncadd.s32 $0xFFFFC000;
	s13 =	simm.s32 $0x15F00  }
0x74: {  	[tilespmem:s28], [sflag:$0x4] =	stream.indirect.gather [hbm4b:s1+s24], $0x80, s13, s24, $0xb8;
	[tilespmem:$0x1E980] =	vst v63  }
0x75: {  	s21 =	rddreg [dreg:$0xe]  }
0x76: {  	[tilespmem:s29], [sflag:$0x2] =	stream.linear.gather [hbm4b:s21+s4], $0x80, $0x38;
	[tilespmem:$0x1E980] =	vst v63  }
0x77: {  	_ =	swait.ge [sflag:s30], $0x4000  }
0x78: {  	[sflag:s30] =	ssyncset.done $0x0  }
0x79: {  	[sflag:s30] =	ssyncadd.s32 $0xFFFFC000  }
0x7a: {  	_ =	swait.ge [sflag:s23], $0x80  }
0x7b: {  	[sflag:s23] =	ssyncset.done $0x0  }
0x7c: {  	[sflag:s23] =	ssyncadd.s32 $0xFFFFFF80  }
0x7d: {  	[spmem:s3] =	stream.indirect.scatter.add.f32 [tilespmem:s25], [sflag:$0x5], $0x80, s26, s24, $0xb8;
	[tilespmem:$0x1E980] =	vst v63  }
0x7e: {  	_ =	swait.ge [sflag:s31], $0x4000  }
0x7f: {  	[sflag:s31] =	ssyncset.done $0x0  }
0x80: {  	[sflag:s31] =	ssyncadd.s32 $0xFFFFC000  }
0x81: {  	_ =	swait.ge [sflag:s0], $0x4000  }
0x82: {  	[sflag:s0] =	ssyncset.done $0x0  }
0x83: {  	[sflag:s0] =	ssyncadd.s32 $0xFFFFC000  }
0x84: {  	_ =	swait.ge [sflag:s6], $0x80  }
0x85: {  	[sflag:s6] =	ssyncset.done $0x0  }
0x86: {  	[sflag:s6] =	ssyncadd.s32 $0xFFFFFF80  }
0x87: {  	[spmem:s3] =	stream.indirect.scatter.add.f32 [tilespmem:s28], [sflag:$0x5], $0x80, s29, s24, $0xb8;
	[tilespmem:$0x1E980] =	vst v63  }
0x88: {  	_ =	swait.ge [sflag:s31], $0x4000  }
0x89: {  	[sflag:s31] =	ssyncset.done $0x0  }
0x8a: {  	s15 =	rddreg [dreg:$0x9];
	[sflag:s31] =	ssyncadd.s32 $0xFFFFC000  }
0x8b: {  	[tilespmem:s8], [sflag:$0x5] =	stream.linear.gather [hbm4b:s15+s4], $0x10, $0x38;
	[tilespmem:$0x1E980] =	vst v63  }
0x8c: {  	_ =	swait.ge [sflag:s31], $0x10  }
0x8d: {  	[sflag:s31] =	ssyncset.done $0x0  }
0x8e: {  	s17 =	rddreg [dreg:$0xa];
	[sflag:s31] =	ssyncadd.s32 $0xFFFFFFF0  }
0x8f: {  	[tilespmem:s9], [sflag:$0x5] =	stream.linear.gather [hbm4b:s17+s4], $0x10, $0x38;
	[tilespmem:$0x1E980] =	vst v63  }
0x90: {  	_ =	swait.ge [sflag:s31], $0x10  }
0x91: {  	[sflag:s31] =	ssyncset.done $0x0  }
0x92: {  	[sflag:s31] =	ssyncadd.s32 $0xFFFFFFF0  }
0x93: {  	[tilespmem:s12], [sflag:$0x3] =	stream.indirect.gather [hbm4b:s1+s11], $0x80, s8, s11, $0xb8;
	[tilespmem:$0x1E980] =	vst v63  }
0x94: {  	_ =	swait.ge [sflag:s30], $0x800  }
0x95: {  	[sflag:s30] =	ssyncset.done $0x0  }
0x96: {  	[sflag:s30] =	ssyncadd.s32 $0xFFFFF800  }
0x97: {  	[spmem:s3] =	stream.indirect.scatter.add.f32 [tilespmem:s12], [sflag:$0x5], $0x80, s9, s11, $0xb8;
	[tilespmem:$0x1E980] =	vst v63  }
0x98: {  	_ =	swait.ge [sflag:s31], $0x800  }
0x99: {  	[sflag:s31] =	ssyncset.done $0x0  }
0x9a: {  	[sflag:s31] =	ssyncadd.s32 $0xFFFFF800  }
0x9b: {  	s18 =	sshll.u32 s2, $0x6;
	[bflag:$0x0] =	sbarrier.arrive $0xFFFF  }
0x9c: {  	s13 =	sor.u32 $0x1C05, s18;
	s15 =	sshrl.u32 s7, $0x3;
	s17 =	rddreg [dreg:$0xb]  }
0x9d: {  	[hbm:s17], [sflag:s13] =	dma.local [spmem:s15], $0x2700  }
0x9e: {  	_ =	swait.ge [sflag:s31], $0x2700  }
0x9f: {  	[sflag:s31] =	ssyncset.done $0x0  }
0xa0: {  	s15 =	sshrl.u32 @!p4 s10, $0x3;
	s17 =	rddreg [dreg:$0xc];
	[sflag:s31] =	ssyncadd.s32 $0xFFFFD900  }
0xa1: {  	[hbm:s17], [sflag:s13] =	dma.local @!p4 [spmem:s15], $0x100  }
0xa2: {  	s13 =	simm.s32 @!p4 $0x5  }
0xa3: {  	_ =	swait.ge @!p4 [sflag:s13], $0x100  }
0xa4: {  	s14 =	sadd.s32 $0x1, s14;
	s21 =	rddreg [dreg:$0xd]  }
0xa5: {  	p5 =	sne.s32 s14, s21  }
.Ltmp1:
0xa6: {  	_ = 	snop;
	(pc) =	sbr.rel @p5 .LBB2_1-.Ltmp1, $3  }
0xa7: {  	_ =	sdelay $0x1  }
0xa8: {  	[sflag:s13] =	ssyncset.done @!p4 $0x0  }
0xa9: {  	[sflag:s13] =	ssyncadd.s32 @!p4 $0xFFFFFF00  }
0xaa: {  	_ =	sfence.sel $0x180000  }
0xab: {  	[bflag:$0x0] =	sbarrier.arrive $0xFFFF  }
0xac: {  	_ =	strace $0x90000047  }
0xad: {  	[bflag:$0x2] =	sbarrier.arrive $0xFFFF  }
0xae: {  	p0 =	sne.s32 s2, $0x0;
	s0 =	rddreg [dreg:$0x3]  }
0xaf: {  	s0 =	sadd.s32 @!p0 $0x100000, s0  }
0xb0: {  	[sflag:s0] =	ssyncadd.tile.s32 @!p0 $0x1;
	_ =	shalt  }
.Lfunc_end2:
_tile_overlayer_lowered:
.L_overlay_start_2:
0xb1: {  	(tag) =	ssettag $0x2  }
0xb2: {  	s0 =	rddreg [dreg:$0x0];
	s2 =	stileid.u32  }
0xb3: {  	s1 =	rddreg [dreg:$0x1];
	p0 =	sne.s32 s2, $0x0  }
0xb4: {  	s3 =	rddreg [dreg:$0x2];
	[bflag:$0x3] =	sbarrier.arrive $0xFFFF;
	s2 =	simm.s32 @!p0 $0x1C05  }
0xb5: {  	[timem:s3], [sflag:s2] =	dma.local @!p0 [hbm:s0], s1  }
0xb6: {  	s0 =	simm.s32 @!p0 $0x5  }
0xb7: {  	_ =	swait.ge @!p0 [sflag:s0], s1  }
0xb8: {  	s1 =	ssub.s32 @!p0 $0x0, s1;
	[sflag:s0] =	ssyncset.done @!p0 $0x0  }
0xb9: {  	[sflag:s0] =	ssyncadd.s32 @!p0 s1  }
0xba: {  	[bflag:$0x3] =	sbarrier.arrive $0xFFFF  }
0xbb: {  	_ =	shalt  }

</sc_bundles>
